<compile_context>
chip_gen: v7x
topology: tpu7x:2x2x1
jax: 0.10.2.dev20260603
libtpu: 0.0.44.dev20260713+nightly
codegen_flags: <defaults>
</compile_context>

<pallas_src>
import functools

import jax
import jax.numpy as jnp
from jax import lax
from jax.experimental import pallas as pl
from jax.experimental.pallas import tpu as pltpu
from jax.experimental.pallas import tpu_sc as plsc

N = 10000
E = 320000
D = 128
NP = 10240

NC = 2
NS = 16
NW = NC * NS
EPW = E // NW
C = 80
NCH = EPW // C
RPS = NP // NS
RB = 1000
TB = 1024

PHASES = (63, 62)
PHB = PHASES[0]

_mesh = plsc.VectorSubcoreMesh(core_axis_name="c", subcore_axis_name="s")



@functools.partial(
    pl.kernel,
    out_type=jax.ShapeDtypeStruct((NC, 2, NP), jnp.float32),
    mesh=_mesh,
    scratch_types=[
        pltpu.VMEM((EPW,), jnp.int32),
        pltpu.VMEM((EPW,), jnp.int32),
        pltpu.VMEM((C,), jnp.float32),
        pltpu.VMEM_SHARED((NP,), jnp.float32),
        pltpu.VMEM_SHARED((NP,), jnp.float32),
        pltpu.SemaphoreType.DMA,
        pltpu.SemaphoreType.DMA,
    ],
)
def _sc_degrees(ei_hbm, zeros_hbm, ones_hbm, out_hbm,
                src_v, dst_v, ones_v, degs_sh, degd_sh, sem_s, sem_d):
    cid = lax.axis_index("c")
    sid = lax.axis_index("s")
    wid = cid * NS + sid

    pltpu.async_copy(ei_hbm.at[pl.ds(wid * EPW, EPW)], src_v, sem_s)
    pltpu.async_copy(ei_hbm.at[pl.ds(E + wid * EPW, EPW)], dst_v, sem_d)
    pltpu.sync_copy(ones_hbm, ones_v)
    sl = pl.ds(sid * RPS, RPS)
    pltpu.sync_copy(zeros_hbm.at[sl], degs_sh.at[sl])
    pltpu.sync_copy(zeros_hbm.at[sl], degd_sh.at[sl])
    pltpu.make_async_copy(ei_hbm.at[pl.ds(wid * EPW, EPW)], src_v, sem_s).wait()
    pltpu.make_async_copy(ei_hbm.at[pl.ds(E + wid * EPW, EPW)], dst_v,
                          sem_d).wait()
    plsc.subcore_barrier()

    def schunk(j):
        return src_v.at[pl.ds(j * C, C)]

    def dchunk(j):
        return dst_v.at[pl.ds(j * C, C)]

    pltpu.async_copy(ones_v, degs_sh.at[schunk(0)], sem_s, add=True)
    pltpu.async_copy(ones_v, degd_sh.at[dchunk(0)], sem_d, add=True)

    @pl.loop(1, NCH)
    def _(j):
        pltpu.async_copy(ones_v, degs_sh.at[schunk(j)], sem_s, add=True)
        pltpu.async_copy(ones_v, degd_sh.at[dchunk(j)], sem_d, add=True)
        pltpu.make_async_copy(ones_v, degs_sh.at[schunk(j)], sem_s).wait()
        pltpu.make_async_copy(ones_v, degd_sh.at[dchunk(j)], sem_d).wait()

    pltpu.make_async_copy(ones_v, degs_sh.at[schunk(0)], sem_s).wait()
    pltpu.make_async_copy(ones_v, degd_sh.at[dchunk(0)], sem_d).wait()

    plsc.subcore_barrier()
    pltpu.sync_copy(degs_sh.at[sl], out_hbm.at[cid, 0, sl])
    pltpu.sync_copy(degd_sh.at[sl], out_hbm.at[cid, 1, sl])


def _ring3_phase(h_hbm, src_v, dst_v, bufs, sgs, sss, agg_sh, n):
    def g_wait(c, k):
        pltpu.make_async_copy(
            h_hbm.at[src_v.at[pl.ds(c * C, C)]], bufs[k], sgs[k]).wait()

    def s_issue(c, k):
        pltpu.async_copy(
            bufs[k], agg_sh.at[dst_v.at[pl.ds(c * C, C)]], sss[k], add=True)

    def s_wait(c, k):
        pltpu.make_async_copy(
            bufs[k], agg_sh.at[dst_v.at[pl.ds(c * C, C)]], sss[k]).wait()

    def g_issue(c, k):
        pltpu.async_copy(h_hbm.at[src_v.at[pl.ds(c * C, C)]], bufs[k], sgs[k])

    g_issue(0, 0)
    g_issue(1, 1)

    g_wait(0, 0)
    s_issue(0, 0)
    g_issue(2, 2)

    t_total = (n - 1) // 3

    @pl.loop(0, t_total)
    def _(t):
        c0 = 1 + 3 * t
        for p, k in ((0, 1), (1, 2), (2, 0)):
            c = c0 + p
            k2 = (k + 2) % 3
            g_wait(c, k)
            s_issue(c, k)
            s_wait(c - 1, k2)

            @pl.when(c + 2 < n)
            def _():
                g_issue(c + 2, k2)

    for c in range(1 + 3 * t_total, n):
        k = c % 3
        k2 = (k + 2) % 3
        g_wait(c, k)
        s_issue(c, k)
        s_wait(c - 1, k2)
        if c + 2 < n:
            g_issue(c + 2, k2)

    s_wait(n - 1, (n - 1) % 3)


@functools.partial(
    pl.kernel,
    out_type=jax.ShapeDtypeStruct((NC, N, D), jnp.float32),
    mesh=_mesh,
    scratch_types=[
        pltpu.VMEM((PHB * C,), jnp.int32),
        pltpu.VMEM((PHB * C,), jnp.int32),
        pltpu.VMEM((C, D), jnp.float32),
        pltpu.VMEM((C, D), jnp.float32),
        pltpu.VMEM((C, D), jnp.float32),
        pltpu.VMEM_SHARED((N, D), jnp.float32),
        pltpu.SemaphoreType.DMA,
        pltpu.SemaphoreType.DMA,
        pltpu.SemaphoreType.DMA,
        pltpu.SemaphoreType.DMA,
        pltpu.SemaphoreType.DMA,
        pltpu.SemaphoreType.DMA,
    ],
)
def _sc_aggregate(h_hbm, ei_hbm, zeros_hbm, out_hbm,
                  src_v, dst_v, buf0, buf1, buf2, agg_sh,
                  sg0, sg1, sg2, ss0, ss1, ss2):
    cid = lax.axis_index("c")
    sid = lax.axis_index("s")
    wid = cid * NS + sid
    bufs = (buf0, buf1, buf2)
    sgs = (sg0, sg1, sg2)
    sss = (ss0, ss1, ss2)

    @pl.when(sid < N // RB)
    def _():
        sl = pl.ds(pl.multiple_of(sid * RB, 8), RB)
        pltpu.sync_copy(zeros_hbm.at[sl], agg_sh.at[sl])

    base = 0
    pltpu.sync_copy(ei_hbm.at[pl.ds(wid * EPW, PHASES[0] * C)],
                    src_v.at[pl.ds(0, PHASES[0] * C)])
    pltpu.sync_copy(ei_hbm.at[pl.ds(E + wid * EPW, PHASES[0] * C)],
                    dst_v.at[pl.ds(0, PHASES[0] * C)])
    plsc.subcore_barrier()

    for n in PHASES:
        _ring3_phase(h_hbm, src_v, dst_v, bufs, sgs, sss, agg_sh, n)
        base += n
        if base < NCH:
            nxt = min(PHB, NCH - base)
            pltpu.sync_copy(ei_hbm.at[pl.ds(wid * EPW + base * C, nxt * C)],
                            src_v.at[pl.ds(0, nxt * C)])
            pltpu.sync_copy(ei_hbm.at[pl.ds(E + wid * EPW + base * C, nxt * C)],
                            dst_v.at[pl.ds(0, nxt * C)])

    plsc.subcore_barrier()

    @pl.when(sid < N // RB)
    def _():
        sl = pl.ds(pl.multiple_of(sid * RB, 8), RB)
        pltpu.sync_copy(agg_sh.at[sl], out_hbm.at[cid, sl])



def _tc_pre_body(feat_ref, w_ref, degp_ref, h_ref):
    d = degp_ref[...]
    deg = d[0, 0, 0, 0, :] + d[1, 0, 0, 0, :]
    norm = lax.rsqrt(jnp.maximum(deg, 1.0))
    t = jnp.dot(feat_ref[...].astype(jnp.bfloat16),
                w_ref[...].astype(jnp.bfloat16),
                preferred_element_type=jnp.float32)
    h_ref[...] = t * norm[:, None]


_tc_pre = pl.pallas_call(
    _tc_pre_body,
    grid=(NP // TB,),
    in_specs=[
        pl.BlockSpec((TB, D), lambda i: (i, 0)),
        pl.BlockSpec((D, D), lambda i: (0, 0)),
        pl.BlockSpec((NC, 2, 1, 1, TB), lambda i: (0, 0, i, 0, 0)),
    ],
    out_specs=pl.BlockSpec((TB, D), lambda i: (i, 0)),
    out_shape=jax.ShapeDtypeStruct((N, D), jnp.float32),
)


def _tc_post_body(parts_ref, degp_ref, b_ref, out_ref):
    p = parts_ref[...]
    d = degp_ref[...]
    deg = d[0, 1, 0, 0, :] + d[1, 1, 0, 0, :]
    norm = lax.rsqrt(jnp.maximum(deg, 1.0))
    agg = (p[0] + p[1]) * norm[:, None]
    out_ref[...] = jnp.maximum(agg + b_ref[...], 0.0)


_tc_post = pl.pallas_call(
    _tc_post_body,
    grid=(NP // TB,),
    in_specs=[
        pl.BlockSpec((NC, TB, D), lambda i: (0, i, 0)),
        pl.BlockSpec((NC, 2, 1, 1, TB), lambda i: (0, 0, i, 0, 0)),
        pl.BlockSpec((1, D), lambda i: (0, 0)),
    ],
    out_specs=pl.BlockSpec((TB, D), lambda i: (i, 0)),
    out_shape=jax.ShapeDtypeStruct((N, D), jnp.float32),
)



def kernel(feat, edge_index, W, b):
    zeros1 = jnp.zeros((NP,), jnp.float32)
    ones_c = jnp.ones((C,), jnp.float32)
    zeros2 = jnp.zeros((N, D), jnp.float32)

    ei_flat = edge_index.reshape(2 * E)
    degp = _sc_degrees(ei_flat, zeros1, ones_c)
    degp5 = degp.reshape(NC, 2, NP // TB, 1, TB)

    h = _tc_pre(feat, W, degp5)
    parts = _sc_aggregate(h, ei_flat, zeros2)
    return _tc_post(parts, degp5, b.reshape(1, D))

# --- scband reference (transcript-rebuilt; emitter-appended) ---
"""Pipeline reference for scband-gcn-15453292331332 (READ-ONLY COPY).

The authoritative reference and input builder live on the scoring server;
editing this copy changes nothing except your own understanding.
"""

import jax, jax.numpy as jnp
import numpy as np

N_NODES = 10000
N_EDGES = 320000
D_FEAT = 128
D_OUT = 128

def setup_inputs(seed: int = 0) -> dict:
    key = jax.random.key(seed)
    k1, k2, k3, k4 = jax.random.split(key, 4)
    feat = jax.random.normal(k1, (N_NODES, D_FEAT), dtype=jnp.float32)
    edge_index = jax.random.randint(k2, (2, N_EDGES), 0, N_NODES, dtype=jnp.int32)
    # GraphConv learned params (xavier-like init) + bias
    W = jax.random.normal(k3, (D_FEAT, D_OUT), dtype=jnp.float32) * (1.0 / np.sqrt(D_FEAT))
    b = jnp.zeros((D_OUT,), dtype=jnp.float32)
    return {"feat": feat, "edge_index": edge_index, "W": W, "b": b}

def reference(feat, edge_index, W, b):
    # DGL GraphConv with norm='both' (in_feats == out_feats -> aggregate, then weight):
    #   h = relu( D_in^{-1/2} * A @ (D_out^{-1/2} * feat) @ W + b )
    src = edge_index[0]
    dst = edge_index[1]
    N = feat.shape[0]
    ones = jnp.ones((src.shape[0],), dtype=feat.dtype)
    deg_out = jax.ops.segment_sum(ones, src, num_segments=N)
    deg_in = jax.ops.segment_sum(ones, dst, num_segments=N)
    # clamp zero degrees to 1 (DGL clamps to min 1 before pow)
    norm_src = jnp.where(deg_out > 0, deg_out, 1.0) ** -0.5
    norm_dst = jnp.where(deg_in > 0, deg_in, 1.0) ** -0.5
    h = feat * norm_src[:, None]
    # gather messages along edges and scatter-add to destination nodes
    msg = jnp.take(h, src, axis=0)
    agg = jax.ops.segment_sum(msg, dst, num_segments=N)
    agg = agg * norm_dst[:, None]
    out = agg @ W + b
    return jax.nn.relu(out)

if __name__ == "__main__":
    import jax
    _d = setup_inputs()
    print(jax.jit(kernel)(*tuple(_d.values())))

</pallas_src>

<mosaic_0001>
#map = affine_map<(d0, d1) -> (0)>
#map1 = affine_map<(d0, d1) -> (0, 0, 0)>
module attributes {stable_mosaic.version = 14 : i64} {
  func.func @_sc_degrees(%arg0: i32, %arg1: i32, %arg2: memref<640000xi32, #tpu.memory_space<hbm>>, %arg3: memref<10240xf32, #tpu.memory_space<hbm>>, %arg4: memref<80xf32, #tpu.memory_space<hbm>>, %arg5: memref<2x2x10240xf32, #tpu.memory_space<hbm>>, %arg6: memref<10000xi32, #tpu.memory_space<vmem>>, %arg7: memref<10000xi32, #tpu.memory_space<vmem>>, %arg8: memref<80xf32, #tpu.memory_space<vmem>>, %arg9: memref<10240xf32, #tpu.memory_space<vmem_shared>>, %arg10: memref<10240xf32, #tpu.memory_space<vmem_shared>>, %arg11: memref<!tpu.dma_semaphore, #tpu.memory_space<semaphore_mem>>, %arg12: memref<!tpu.dma_semaphore, #tpu.memory_space<semaphore_mem>>) attributes {dimension_semantics = [#tpu.dimension_semantics<core_parallel>, #tpu.dimension_semantics<subcore_parallel>], iteration_bounds = array<i64: 2, 16>, scalar_prefetch = 0 : i64, scratch_operands = 7 : i64, tpu.core_type = #tpu.core_type<sc_vector_subcore>, window_params = [{transform_indices = #map}, {transform_indices = #map}, {transform_indices = #map}, {transform_indices = #map1}]} {
    %mul3A = arith.constant 16 : i32
    %mul3A_0 = arith.muli %arg0, %mul3A : i32
    %add3A = arith.addi %mul3A_0, %arg1 : i32
    %mul3A_1 = arith.constant 10000 : i32
    %mul3A_2 = arith.muli %add3A, %mul3A_1 : i32
    %dma_start3A = tpu.memref_slice %arg2[%mul3A_2] : memref<640000xi32, #tpu.memory_space<hbm>> -> memref<10000xi32, #tpu.memory_space<hbm>>
    %dma_start3A_3 = tpu.memref_slice %arg2[%mul3A_2] : memref<640000xi32, #tpu.memory_space<hbm>> -> memref<10000xi32, #tpu.memory_space<hbm>>
    tpu.enqueue_dma source(%dma_start3A_3 : memref<10000xi32, #tpu.memory_space<hbm>>) target(%arg6 : memref<10000xi32, #tpu.memory_space<vmem>>) target_semaphore(%arg11 : memref<!tpu.dma_semaphore, #tpu.memory_space<semaphore_mem>>)
    %mul3A_4 = arith.constant 10000 : i32
    %mul3A_5 = arith.muli %add3A, %mul3A_4 : i32
    %add3A_6 = arith.constant 320000 : i32
    %add3A_7 = arith.addi %add3A_6, %mul3A_5 : i32
    %dma_start3A_8 = tpu.memref_slice %arg2[%add3A_7] : memref<640000xi32, #tpu.memory_space<hbm>> -> memref<10000xi32, #tpu.memory_space<hbm>>
    %dma_start3A_9 = tpu.memref_slice %arg2[%add3A_7] : memref<640000xi32, #tpu.memory_space<hbm>> -> memref<10000xi32, #tpu.memory_space<hbm>>
    tpu.enqueue_dma source(%dma_start3A_9 : memref<10000xi32, #tpu.memory_space<hbm>>) target(%arg7 : memref<10000xi32, #tpu.memory_space<vmem>>) target_semaphore(%arg12 : memref<!tpu.dma_semaphore, #tpu.memory_space<semaphore_mem>>)
    "tpu.region"() ({
      %run_scoped3A_43 = tpu.sem_alloc : memref<!tpu.dma_semaphore, #tpu.memory_space<semaphore_mem>>
      tpu.enqueue_dma source(%arg4 : memref<80xf32, #tpu.memory_space<hbm>>) target(%arg8 : memref<80xf32, #tpu.memory_space<vmem>>) target_semaphore(%run_scoped3A_43 : memref<!tpu.dma_semaphore, #tpu.memory_space<semaphore_mem>>)
      tpu.wait_dma2 semaphore(%run_scoped3A_43 : memref<!tpu.dma_semaphore, #tpu.memory_space<semaphore_mem>>) src(%arg4 : memref<80xf32, #tpu.memory_space<hbm>>) dst(%arg8 : memref<80xf32, #tpu.memory_space<vmem>>)
      tpu.yield
    }) : () -> ()
    %mul3A_10 = arith.constant 640 : i32
    %mul3A_11 = arith.muli %arg1, %mul3A_10 : i32
    "tpu.region"() ({
      %run_scoped3A_43 = tpu.sem_alloc : memref<!tpu.dma_semaphore, #tpu.memory_space<semaphore_mem>>
      %dma_start3A_44 = tpu.memref_slice %arg9[%mul3A_11] : memref<10240xf32, #tpu.memory_space<vmem_shared>> -> memref<640xf32, #tpu.memory_space<vmem_shared>>
      %dma_start3A_45 = tpu.memref_slice %arg3[%mul3A_11] : memref<10240xf32, #tpu.memory_space<hbm>> -> memref<640xf32, #tpu.memory_space<hbm>>
      tpu.enqueue_dma source(%dma_start3A_45 : memref<640xf32, #tpu.memory_space<hbm>>) target(%dma_start3A_44 : memref<640xf32, #tpu.memory_space<vmem_shared>>) target_semaphore(%run_scoped3A_43 : memref<!tpu.dma_semaphore, #tpu.memory_space<semaphore_mem>>)
      %dma_wait3A_46 = tpu.memref_slice %arg9[%mul3A_11] : memref<10240xf32, #tpu.memory_space<vmem_shared>> -> memref<640xf32, #tpu.memory_space<vmem_shared>>
      %dma_wait3A_47 = tpu.memref_slice %arg3[%mul3A_11] : memref<10240xf32, #tpu.memory_space<hbm>> -> memref<640xf32, #tpu.memory_space<hbm>>
      tpu.wait_dma2 semaphore(%run_scoped3A_43 : memref<!tpu.dma_semaphore, #tpu.memory_space<semaphore_mem>>) src(%dma_wait3A_47 : memref<640xf32, #tpu.memory_space<hbm>>) dst(%dma_wait3A_46 : memref<640xf32, #tpu.memory_space<vmem_shared>>)
      tpu.yield
    }) : () -> ()
    "tpu.region"() ({
      %run_scoped3A_43 = tpu.sem_alloc : memref<!tpu.dma_semaphore, #tpu.memory_space<semaphore_mem>>
      %dma_start3A_44 = tpu.memref_slice %arg10[%mul3A_11] : memref<10240xf32, #tpu.memory_space<vmem_shared>> -> memref<640xf32, #tpu.memory_space<vmem_shared>>
      %dma_start3A_45 = tpu.memref_slice %arg3[%mul3A_11] : memref<10240xf32, #tpu.memory_space<hbm>> -> memref<640xf32, #tpu.memory_space<hbm>>
      tpu.enqueue_dma source(%dma_start3A_45 : memref<640xf32, #tpu.memory_space<hbm>>) target(%dma_start3A_44 : memref<640xf32, #tpu.memory_space<vmem_shared>>) target_semaphore(%run_scoped3A_43 : memref<!tpu.dma_semaphore, #tpu.memory_space<semaphore_mem>>)
      %dma_wait3A_46 = tpu.memref_slice %arg10[%mul3A_11] : memref<10240xf32, #tpu.memory_space<vmem_shared>> -> memref<640xf32, #tpu.memory_space<vmem_shared>>
      %dma_wait3A_47 = tpu.memref_slice %arg3[%mul3A_11] : memref<10240xf32, #tpu.memory_space<hbm>> -> memref<640xf32, #tpu.memory_space<hbm>>
      tpu.wait_dma2 semaphore(%run_scoped3A_43 : memref<!tpu.dma_semaphore, #tpu.memory_space<semaphore_mem>>) src(%dma_wait3A_47 : memref<640xf32, #tpu.memory_space<hbm>>) dst(%dma_wait3A_46 : memref<640xf32, #tpu.memory_space<vmem_shared>>)
      tpu.yield
    }) : () -> ()
    %mul3A_12 = arith.constant 10000 : i32
    %mul3A_13 = arith.muli %add3A, %mul3A_12 : i32
    %dma_wait3A = tpu.memref_slice %arg2[%mul3A_13] : memref<640000xi32, #tpu.memory_space<hbm>> -> memref<10000xi32, #tpu.memory_space<hbm>>
    %dma_wait3A_14 = tpu.memref_slice %arg2[%mul3A_13] : memref<640000xi32, #tpu.memory_space<hbm>> -> memref<10000xi32, #tpu.memory_space<hbm>>
    tpu.wait_dma2 semaphore(%arg11 : memref<!tpu.dma_semaphore, #tpu.memory_space<semaphore_mem>>) src(%dma_wait3A_14 : memref<10000xi32, #tpu.memory_space<hbm>>) dst(%arg6 : memref<10000xi32, #tpu.memory_space<vmem>>)
    %mul3A_15 = arith.constant 10000 : i32
    %mul3A_16 = arith.muli %add3A, %mul3A_15 : i32
    %add3A_17 = arith.constant 320000 : i32
    %add3A_18 = arith.addi %add3A_17, %mul3A_16 : i32
    %dma_wait3A_19 = tpu.memref_slice %arg2[%add3A_18] : memref<640000xi32, #tpu.memory_space<hbm>> -> memref<10000xi32, #tpu.memory_space<hbm>>
    %dma_wait3A_20 = tpu.memref_slice %arg2[%add3A_18] : memref<640000xi32, #tpu.memory_space<hbm>> -> memref<10000xi32, #tpu.memory_space<hbm>>
    tpu.wait_dma2 semaphore(%arg12 : memref<!tpu.dma_semaphore, #tpu.memory_space<semaphore_mem>>) src(%dma_wait3A_20 : memref<10000xi32, #tpu.memory_space<hbm>>) dst(%arg7 : memref<10000xi32, #tpu.memory_space<vmem>>)
    %barrier3A = arith.constant 0 : index
    tpu.barrier barrier_id(%barrier3A)
    %dma_start3A_21 = arith.constant 0 : i32
    %dma_start3A_22 = tpu.memref_slice %arg6[%dma_start3A_21] : memref<10000xi32, #tpu.memory_space<vmem>> -> memref<80xi32, #tpu.memory_space<vmem>>
    %dma_start3A_23 = arith.constant 0 : i32
    %dma_start3A_24 = tpu.memref_slice %arg9[%dma_start3A_23] : memref<10240xf32, #tpu.memory_space<vmem_shared>> -> memref<10240xf32, #tpu.memory_space<vmem_shared>>
    tpu.enqueue_indirect_dma source(%arg8 : memref<80xf32, #tpu.memory_space<vmem>>) target(%dma_start3A_24 : memref<10240xf32, #tpu.memory_space<vmem_shared>>) offsets(%dma_start3A_22 : memref<80xi32, #tpu.memory_space<vmem>>) semaphore(%arg11 : memref<!tpu.dma_semaphore, #tpu.memory_space<semaphore_mem>>) {add = true}
    %dma_start3A_25 = arith.constant 0 : i32
    %dma_start3A_26 = tpu.memref_slice %arg7[%dma_start3A_25] : memref<10000xi32, #tpu.memory_space<vmem>> -> memref<80xi32, #tpu.memory_space<vmem>>
    %dma_start3A_27 = arith.constant 0 : i32
    %dma_start3A_28 = tpu.memref_slice %arg10[%dma_start3A_27] : memref<10240xf32, #tpu.memory_space<vmem_shared>> -> memref<10240xf32, #tpu.memory_space<vmem_shared>>
    tpu.enqueue_indirect_dma source(%arg8 : memref<80xf32, #tpu.memory_space<vmem>>) target(%dma_start3A_28 : memref<10240xf32, #tpu.memory_space<vmem_shared>>) offsets(%dma_start3A_26 : memref<80xi32, #tpu.memory_space<vmem>>) semaphore(%arg12 : memref<!tpu.dma_semaphore, #tpu.memory_space<semaphore_mem>>) {add = true}
    %scan3A = arith.constant 0 : i32
    %scan3A_29 = arith.constant 124 : i32
    %scan3A_30 = arith.addi %scan3A, %scan3A_29 : i32
    %scan3A_31 = arith.constant 1 : i32
    scf.for %scan3A_43 = %scan3A to %scan3A_30 step %scan3A_31  : i32 {
      %mul3A_44 = arith.constant 1 : i32
      %mul3A_45 = arith.muli %scan3A_43, %mul3A_44 : i32
      %add3A_46 = arith.constant 1 : i32
      %add3A_47 = arith.addi %add3A_46, %mul3A_45 : i32
      %mul3A_48 = arith.constant 80 : i32
      %mul3A_49 = arith.muli %add3A_47, %mul3A_48 : i32
      %dma_start3A_50 = tpu.memref_slice %arg6[%mul3A_49] : memref<10000xi32, #tpu.memory_space<vmem>> -> memref<80xi32, #tpu.memory_space<vmem>>
      %dma_start3A_51 = arith.constant 0 : i32
      %dma_start3A_52 = tpu.memref_slice %arg9[%dma_start3A_51] : memref<10240xf32, #tpu.memory_space<vmem_shared>> -> memref<10240xf32, #tpu.memory_space<vmem_shared>>
      tpu.enqueue_indirect_dma source(%arg8 : memref<80xf32, #tpu.memory_space<vmem>>) target(%dma_start3A_52 : memref<10240xf32, #tpu.memory_space<vmem_shared>>) offsets(%dma_start3A_50 : memref<80xi32, #tpu.memory_space<vmem>>) semaphore(%arg11 : memref<!tpu.dma_semaphore, #tpu.memory_space<semaphore_mem>>) {add = true}
      %mul3A_53 = arith.constant 80 : i32
      %mul3A_54 = arith.muli %add3A_47, %mul3A_53 : i32
      %dma_start3A_55 = tpu.memref_slice %arg7[%mul3A_54] : memref<10000xi32, #tpu.memory_space<vmem>> -> memref<80xi32, #tpu.memory_space<vmem>>
      %dma_start3A_56 = arith.constant 0 : i32
      %dma_start3A_57 = tpu.memref_slice %arg10[%dma_start3A_56] : memref<10240xf32, #tpu.memory_space<vmem_shared>> -> memref<10240xf32, #tpu.memory_space<vmem_shared>>
      tpu.enqueue_indirect_dma source(%arg8 : memref<80xf32, #tpu.memory_space<vmem>>) target(%dma_start3A_57 : memref<10240xf32, #tpu.memory_space<vmem_shared>>) offsets(%dma_start3A_55 : memref<80xi32, #tpu.memory_space<vmem>>) semaphore(%arg12 : memref<!tpu.dma_semaphore, #tpu.memory_space<semaphore_mem>>) {add = true}
      %mul3A_58 = arith.constant 80 : i32
      %mul3A_59 = arith.muli %add3A_47, %mul3A_58 : i32
      %dma_wait3A_60 = tpu.memref_slice %arg6[%mul3A_59] : memref<10000xi32, #tpu.memory_space<vmem>> -> memref<80xi32, #tpu.memory_space<vmem>>
      %dma_wait3A_61 = arith.constant 0 : i32
      %dma_wait3A_62 = tpu.memref_slice %arg9[%dma_wait3A_61] : memref<10240xf32, #tpu.memory_space<vmem_shared>> -> memref<10240xf32, #tpu.memory_space<vmem_shared>>
      tpu.wait_indirect_dma semaphore(%arg11 : memref<!tpu.dma_semaphore, #tpu.memory_space<semaphore_mem>>) src(%arg8 : memref<80xf32, #tpu.memory_space<vmem>>) dst(%dma_wait3A_62 : memref<10240xf32, #tpu.memory_space<vmem_shared>>)
      %mul3A_63 = arith.constant 80 : i32
      %mul3A_64 = arith.muli %add3A_47, %mul3A_63 : i32
      %dma_wait3A_65 = tpu.memref_slice %arg7[%mul3A_64] : memref<10000xi32, #tpu.memory_space<vmem>> -> memref<80xi32, #tpu.memory_space<vmem>>
      %dma_wait3A_66 = arith.constant 0 : i32
      %dma_wait3A_67 = tpu.memref_slice %arg10[%dma_wait3A_66] : memref<10240xf32, #tpu.memory_space<vmem_shared>> -> memref<10240xf32, #tpu.memory_space<vmem_shared>>
      tpu.wait_indirect_dma semaphore(%arg12 : memref<!tpu.dma_semaphore, #tpu.memory_space<semaphore_mem>>) src(%arg8 : memref<80xf32, #tpu.memory_space<vmem>>) dst(%dma_wait3A_67 : memref<10240xf32, #tpu.memory_space<vmem_shared>>)
    }
    %scan3A_32 = arith.constant 124 : i32
    %dma_wait3A_33 = arith.constant 0 : i32
    %dma_wait3A_34 = tpu.memref_slice %arg6[%dma_wait3A_33] : memref<10000xi32, #tpu.memory_space<vmem>> -> memref<80xi32, #tpu.memory_space<vmem>>
    %dma_wait3A_35 = arith.constant 0 : i32
    %dma_wait3A_36 = tpu.memref_slice %arg9[%dma_wait3A_35] : memref<10240xf32, #tpu.memory_space<vmem_shared>> -> memref<10240xf32, #tpu.memory_space<vmem_shared>>
    tpu.wait_indirect_dma semaphore(%arg11 : memref<!tpu.dma_semaphore, #tpu.memory_space<semaphore_mem>>) src(%arg8 : memref<80xf32, #tpu.memory_space<vmem>>) dst(%dma_wait3A_36 : memref<10240xf32, #tpu.memory_space<vmem_shared>>)
    %dma_wait3A_37 = arith.constant 0 : i32
    %dma_wait3A_38 = tpu.memref_slice %arg7[%dma_wait3A_37] : memref<10000xi32, #tpu.memory_space<vmem>> -> memref<80xi32, #tpu.memory_space<vmem>>
    %dma_wait3A_39 = arith.constant 0 : i32
    %dma_wait3A_40 = tpu.memref_slice %arg10[%dma_wait3A_39] : memref<10240xf32, #tpu.memory_space<vmem_shared>> -> memref<10240xf32, #tpu.memory_space<vmem_shared>>
    tpu.wait_indirect_dma semaphore(%arg12 : memref<!tpu.dma_semaphore, #tpu.memory_space<semaphore_mem>>) src(%arg8 : memref<80xf32, #tpu.memory_space<vmem>>) dst(%dma_wait3A_40 : memref<10240xf32, #tpu.memory_space<vmem_shared>>)
    %barrier3A_41 = arith.constant 0 : index
    tpu.barrier barrier_id(%barrier3A_41)
    %run_scoped3A = arith.constant 0 : i32
    "tpu.region"() ({
      %run_scoped3A_43 = tpu.sem_alloc : memref<!tpu.dma_semaphore, #tpu.memory_space<semaphore_mem>>
      %dma_start3A_44 = tpu.memref_slice %arg5[%arg0, %run_scoped3A, %mul3A_11] : memref<2x2x10240xf32, #tpu.memory_space<hbm>> -> memref<1x1x640xf32, #tpu.memory_space<hbm>>
      %dma_start3A_45 = tpu.memref_squeeze %dma_start3A_44 : memref<1x1x640xf32, #tpu.memory_space<hbm>> -> memref<640xf32, #tpu.memory_space<hbm>>
      %dma_start3A_46 = tpu.memref_slice %arg9[%mul3A_11] : memref<10240xf32, #tpu.memory_space<vmem_shared>> -> memref<640xf32, #tpu.memory_space<vmem_shared>>
      tpu.enqueue_dma source(%dma_start3A_46 : memref<640xf32, #tpu.memory_space<vmem_shared>>) target(%dma_start3A_45 : memref<640xf32, #tpu.memory_space<hbm>>) target_semaphore(%run_scoped3A_43 : memref<!tpu.dma_semaphore, #tpu.memory_space<semaphore_mem>>)
      %dma_wait3A_47 = tpu.memref_slice %arg5[%arg0, %run_scoped3A, %mul3A_11] : memref<2x2x10240xf32, #tpu.memory_space<hbm>> -> memref<1x1x640xf32, #tpu.memory_space<hbm>>
      %dma_wait3A_48 = tpu.memref_squeeze %dma_wait3A_47 : memref<1x1x640xf32, #tpu.memory_space<hbm>> -> memref<640xf32, #tpu.memory_space<hbm>>
      %dma_wait3A_49 = tpu.memref_slice %arg9[%mul3A_11] : memref<10240xf32, #tpu.memory_space<vmem_shared>> -> memref<640xf32, #tpu.memory_space<vmem_shared>>
      tpu.wait_dma2 semaphore(%run_scoped3A_43 : memref<!tpu.dma_semaphore, #tpu.memory_space<semaphore_mem>>) src(%dma_wait3A_49 : memref<640xf32, #tpu.memory_space<vmem_shared>>) dst(%dma_wait3A_48 : memref<640xf32, #tpu.memory_space<hbm>>)
      tpu.yield
    }) : () -> ()
    %run_scoped3A_42 = arith.constant 1 : i32
    "tpu.region"() ({
      %run_scoped3A_43 = tpu.sem_alloc : memref<!tpu.dma_semaphore, #tpu.memory_space<semaphore_mem>>
      %dma_start3A_44 = tpu.memref_slice %arg5[%arg0, %run_scoped3A_42, %mul3A_11] : memref<2x2x10240xf32, #tpu.memory_space<hbm>> -> memref<1x1x640xf32, #tpu.memory_space<hbm>>
      %dma_start3A_45 = tpu.memref_squeeze %dma_start3A_44 : memref<1x1x640xf32, #tpu.memory_space<hbm>> -> memref<640xf32, #tpu.memory_space<hbm>>
      %dma_start3A_46 = tpu.memref_slice %arg10[%mul3A_11] : memref<10240xf32, #tpu.memory_space<vmem_shared>> -> memref<640xf32, #tpu.memory_space<vmem_shared>>
      tpu.enqueue_dma source(%dma_start3A_46 : memref<640xf32, #tpu.memory_space<vmem_shared>>) target(%dma_start3A_45 : memref<640xf32, #tpu.memory_space<hbm>>) target_semaphore(%run_scoped3A_43 : memref<!tpu.dma_semaphore, #tpu.memory_space<semaphore_mem>>)
      %dma_wait3A_47 = tpu.memref_slice %arg5[%arg0, %run_scoped3A_42, %mul3A_11] : memref<2x2x10240xf32, #tpu.memory_space<hbm>> -> memref<1x1x640xf32, #tpu.memory_space<hbm>>
      %dma_wait3A_48 = tpu.memref_squeeze %dma_wait3A_47 : memref<1x1x640xf32, #tpu.memory_space<hbm>> -> memref<640xf32, #tpu.memory_space<hbm>>
      %dma_wait3A_49 = tpu.memref_slice %arg10[%mul3A_11] : memref<10240xf32, #tpu.memory_space<vmem_shared>> -> memref<640xf32, #tpu.memory_space<vmem_shared>>
      tpu.wait_dma2 semaphore(%run_scoped3A_43 : memref<!tpu.dma_semaphore, #tpu.memory_space<semaphore_mem>>) src(%dma_wait3A_49 : memref<640xf32, #tpu.memory_space<vmem_shared>>) dst(%dma_wait3A_48 : memref<640xf32, #tpu.memory_space<hbm>>)
      tpu.yield
    }) : () -> ()
    return
  }
}

#map = affine_map<(d0, d1) -> (0, 0)>
#map1 = affine_map<(d0, d1) -> (0)>
#map2 = affine_map<(d0, d1) -> (0, 0, 0)>
module attributes {stable_mosaic.version = 14 : i64} {
  func.func @_sc_aggregate(%arg0: i32, %arg1: i32, %arg2: memref<10000x128xf32, #tpu.memory_space<hbm>>, %arg3: memref<640000xi32, #tpu.memory_space<hbm>>, %arg4: memref<10000x128xf32, #tpu.memory_space<hbm>>, %arg5: memref<2x10000x128xf32, #tpu.memory_space<hbm>>, %arg6: memref<5040xi32, #tpu.memory_space<vmem>>, %arg7: memref<5040xi32, #tpu.memory_space<vmem>>, %arg8: memref<80x128xf32, #tpu.memory_space<vmem>>, %arg9: memref<80x128xf32, #tpu.memory_space<vmem>>, %arg10: memref<80x128xf32, #tpu.memory_space<vmem>>, %arg11: memref<10000x128xf32, #tpu.memory_space<vmem_shared>>, %arg12: memref<!tpu.dma_semaphore, #tpu.memory_space<semaphore_mem>>, %arg13: memref<!tpu.dma_semaphore, #tpu.memory_space<semaphore_mem>>, %arg14: memref<!tpu.dma_semaphore, #tpu.memory_space<semaphore_mem>>, %arg15: memref<!tpu.dma_semaphore, #tpu.memory_space<semaphore_mem>>, %arg16: memref<!tpu.dma_semaphore, #tpu.memory_space<semaphore_mem>>, %arg17: memref<!tpu.dma_semaphore, #tpu.memory_space<semaphore_mem>>) attributes {dimension_semantics = [#tpu.dimension_semantics<core_parallel>, #tpu.dimension_semantics<subcore_parallel>], iteration_bounds = array<i64: 2, 16>, scalar_prefetch = 0 : i64, scratch_operands = 12 : i64, tpu.core_type = #tpu.core_type<sc_vector_subcore>, window_params = [{transform_indices = #map}, {transform_indices = #map1}, {transform_indices = #map}, {transform_indices = #map2}]} {
    %mul3A = arith.constant 16 : i32
    %mul3A_0 = arith.muli %arg0, %mul3A : i32
    %add3A = arith.addi %mul3A_0, %arg1 : i32
    %lt3A = arith.constant 10 : i32
    %lt3A_1 = arith.cmpi slt, %arg1, %lt3A : i32
    %convert_element_type3A = arith.extui %lt3A_1 : i1 to i32
    %cond3A = arith.constant 0 : i32
    %cond3A_2 = arith.cmpi ne, %convert_element_type3A, %cond3A : i32
    scf.if %cond3A_2 {
      %mul3A_137 = arith.constant 1000 : i32
      %mul3A_138 = arith.muli %arg1, %mul3A_137 : i32
      %multiple_of3A = tpu.assume_multiple %mul3A_138, 8 : i32
      "tpu.region"() ({
        %run_scoped3A = tpu.sem_alloc : memref<!tpu.dma_semaphore, #tpu.memory_space<semaphore_mem>>
        %dma_start3A_139 = arith.constant 0 : i32
        %dma_start3A_140 = tpu.memref_slice %arg11[%multiple_of3A, %dma_start3A_139] : memref<10000x128xf32, #tpu.memory_space<vmem_shared>> -> memref<1000x128xf32, #tpu.memory_space<vmem_shared>>
        %dma_start3A_141 = arith.constant 0 : i32
        %dma_start3A_142 = tpu.memref_slice %arg4[%multiple_of3A, %dma_start3A_141] : memref<10000x128xf32, #tpu.memory_space<hbm>> -> memref<1000x128xf32, #tpu.memory_space<hbm>>
        tpu.enqueue_dma source(%dma_start3A_142 : memref<1000x128xf32, #tpu.memory_space<hbm>>) target(%dma_start3A_140 : memref<1000x128xf32, #tpu.memory_space<vmem_shared>>) target_semaphore(%run_scoped3A : memref<!tpu.dma_semaphore, #tpu.memory_space<semaphore_mem>>)
        %dma_wait3A_143 = arith.constant 0 : i32
        %dma_wait3A_144 = tpu.memref_slice %arg11[%multiple_of3A, %dma_wait3A_143] : memref<10000x128xf32, #tpu.memory_space<vmem_shared>> -> memref<1000x128xf32, #tpu.memory_space<vmem_shared>>
        %dma_wait3A_145 = arith.constant 0 : i32
        %dma_wait3A_146 = tpu.memref_slice %arg4[%multiple_of3A, %dma_wait3A_145] : memref<10000x128xf32, #tpu.memory_space<hbm>> -> memref<1000x128xf32, #tpu.memory_space<hbm>>
        tpu.wait_dma2 semaphore(%run_scoped3A : memref<!tpu.dma_semaphore, #tpu.memory_space<semaphore_mem>>) src(%dma_wait3A_146 : memref<1000x128xf32, #tpu.memory_space<hbm>>) dst(%dma_wait3A_144 : memref<1000x128xf32, #tpu.memory_space<vmem_shared>>)
        tpu.yield
      }) : () -> ()
    } else {
    }
    %mul3A_3 = arith.constant 10000 : i32
    %mul3A_4 = arith.muli %add3A, %mul3A_3 : i32
    "tpu.region"() ({
      %run_scoped3A = tpu.sem_alloc : memref<!tpu.dma_semaphore, #tpu.memory_space<semaphore_mem>>
      %dma_start3A_137 = arith.constant 0 : i32
      %dma_start3A_138 = tpu.memref_slice %arg6[%dma_start3A_137] : memref<5040xi32, #tpu.memory_space<vmem>> -> memref<5040xi32, #tpu.memory_space<vmem>>
      %dma_start3A_139 = tpu.memref_slice %arg3[%mul3A_4] : memref<640000xi32, #tpu.memory_space<hbm>> -> memref<5040xi32, #tpu.memory_space<hbm>>
      %dma_start3A_140 = arith.constant 0 : i32
      %dma_start3A_141 = tpu.memref_slice %arg6[%dma_start3A_140] : memref<5040xi32, #tpu.memory_space<vmem>> -> memref<5040xi32, #tpu.memory_space<vmem>>
      %dma_start3A_142 = tpu.memref_slice %arg3[%mul3A_4] : memref<640000xi32, #tpu.memory_space<hbm>> -> memref<5040xi32, #tpu.memory_space<hbm>>
      tpu.enqueue_dma source(%dma_start3A_142 : memref<5040xi32, #tpu.memory_space<hbm>>) target(%dma_start3A_141 : memref<5040xi32, #tpu.memory_space<vmem>>) target_semaphore(%run_scoped3A : memref<!tpu.dma_semaphore, #tpu.memory_space<semaphore_mem>>)
      %dma_wait3A_143 = arith.constant 0 : i32
      %dma_wait3A_144 = tpu.memref_slice %arg6[%dma_wait3A_143] : memref<5040xi32, #tpu.memory_space<vmem>> -> memref<5040xi32, #tpu.memory_space<vmem>>
      %dma_wait3A_145 = tpu.memref_slice %arg3[%mul3A_4] : memref<640000xi32, #tpu.memory_space<hbm>> -> memref<5040xi32, #tpu.memory_space<hbm>>
      %dma_wait3A_146 = arith.constant 0 : i32
      %dma_wait3A_147 = tpu.memref_slice %arg6[%dma_wait3A_146] : memref<5040xi32, #tpu.memory_space<vmem>> -> memref<5040xi32, #tpu.memory_space<vmem>>
      %dma_wait3A_148 = tpu.memref_slice %arg3[%mul3A_4] : memref<640000xi32, #tpu.memory_space<hbm>> -> memref<5040xi32, #tpu.memory_space<hbm>>
      tpu.wait_dma2 semaphore(%run_scoped3A : memref<!tpu.dma_semaphore, #tpu.memory_space<semaphore_mem>>) src(%dma_wait3A_148 : memref<5040xi32, #tpu.memory_space<hbm>>) dst(%dma_wait3A_147 : memref<5040xi32, #tpu.memory_space<vmem>>)
      tpu.yield
    }) : () -> ()
    %mul3A_5 = arith.constant 10000 : i32
    %mul3A_6 = arith.muli %add3A, %mul3A_5 : i32
    %add3A_7 = arith.constant 320000 : i32
    %add3A_8 = arith.addi %add3A_7, %mul3A_6 : i32
    "tpu.region"() ({
      %run_scoped3A = tpu.sem_alloc : memref<!tpu.dma_semaphore, #tpu.memory_space<semaphore_mem>>
      %dma_start3A_137 = arith.constant 0 : i32
      %dma_start3A_138 = tpu.memref_slice %arg7[%dma_start3A_137] : memref<5040xi32, #tpu.memory_space<vmem>> -> memref<5040xi32, #tpu.memory_space<vmem>>
      %dma_start3A_139 = tpu.memref_slice %arg3[%add3A_8] : memref<640000xi32, #tpu.memory_space<hbm>> -> memref<5040xi32, #tpu.memory_space<hbm>>
      %dma_start3A_140 = arith.constant 0 : i32
      %dma_start3A_141 = tpu.memref_slice %arg7[%dma_start3A_140] : memref<5040xi32, #tpu.memory_space<vmem>> -> memref<5040xi32, #tpu.memory_space<vmem>>
      %dma_start3A_142 = tpu.memref_slice %arg3[%add3A_8] : memref<640000xi32, #tpu.memory_space<hbm>> -> memref<5040xi32, #tpu.memory_space<hbm>>
      tpu.enqueue_dma source(%dma_start3A_142 : memref<5040xi32, #tpu.memory_space<hbm>>) target(%dma_start3A_141 : memref<5040xi32, #tpu.memory_space<vmem>>) target_semaphore(%run_scoped3A : memref<!tpu.dma_semaphore, #tpu.memory_space<semaphore_mem>>)
      %dma_wait3A_143 = arith.constant 0 : i32
      %dma_wait3A_144 = tpu.memref_slice %arg7[%dma_wait3A_143] : memref<5040xi32, #tpu.memory_space<vmem>> -> memref<5040xi32, #tpu.memory_space<vmem>>
      %dma_wait3A_145 = tpu.memref_slice %arg3[%add3A_8] : memref<640000xi32, #tpu.memory_space<hbm>> -> memref<5040xi32, #tpu.memory_space<hbm>>
      %dma_wait3A_146 = arith.constant 0 : i32
      %dma_wait3A_147 = tpu.memref_slice %arg7[%dma_wait3A_146] : memref<5040xi32, #tpu.memory_space<vmem>> -> memref<5040xi32, #tpu.memory_space<vmem>>
      %dma_wait3A_148 = tpu.memref_slice %arg3[%add3A_8] : memref<640000xi32, #tpu.memory_space<hbm>> -> memref<5040xi32, #tpu.memory_space<hbm>>
      tpu.wait_dma2 semaphore(%run_scoped3A : memref<!tpu.dma_semaphore, #tpu.memory_space<semaphore_mem>>) src(%dma_wait3A_148 : memref<5040xi32, #tpu.memory_space<hbm>>) dst(%dma_wait3A_147 : memref<5040xi32, #tpu.memory_space<vmem>>)
      tpu.yield
    }) : () -> ()
    %barrier3A = arith.constant 0 : index
    tpu.barrier barrier_id(%barrier3A)
    %dma_start3A = arith.constant 0 : i32
    %dma_start3A_9 = tpu.memref_slice %arg6[%dma_start3A] : memref<5040xi32, #tpu.memory_space<vmem>> -> memref<80xi32, #tpu.memory_space<vmem>>
    %dma_start3A_10 = arith.constant 0 : i32
    %dma_start3A_11 = arith.constant 0 : i32
    %dma_start3A_12 = tpu.memref_slice %arg2[%dma_start3A_10, %dma_start3A_11] : memref<10000x128xf32, #tpu.memory_space<hbm>> -> memref<10000x128xf32, #tpu.memory_space<hbm>>
    tpu.enqueue_indirect_dma source(%dma_start3A_12 : memref<10000x128xf32, #tpu.memory_space<hbm>>) target(%arg8 : memref<80x128xf32, #tpu.memory_space<vmem>>) offsets(%dma_start3A_9 : memref<80xi32, #tpu.memory_space<vmem>>) semaphore(%arg12 : memref<!tpu.dma_semaphore, #tpu.memory_space<semaphore_mem>>)
    %dma_start3A_13 = arith.constant 80 : i32
    %dma_start3A_14 = tpu.memref_slice %arg6[%dma_start3A_13] : memref<5040xi32, #tpu.memory_space<vmem>> -> memref<80xi32, #tpu.memory_space<vmem>>
    %dma_start3A_15 = arith.constant 0 : i32
    %dma_start3A_16 = arith.constant 0 : i32
    %dma_start3A_17 = tpu.memref_slice %arg2[%dma_start3A_15, %dma_start3A_16] : memref<10000x128xf32, #tpu.memory_space<hbm>> -> memref<10000x128xf32, #tpu.memory_space<hbm>>
    tpu.enqueue_indirect_dma source(%dma_start3A_17 : memref<10000x128xf32, #tpu.memory_space<hbm>>) target(%arg9 : memref<80x128xf32, #tpu.memory_space<vmem>>) offsets(%dma_start3A_14 : memref<80xi32, #tpu.memory_space<vmem>>) semaphore(%arg13 : memref<!tpu.dma_semaphore, #tpu.memory_space<semaphore_mem>>)
    %dma_wait3A = arith.constant 0 : i32
    %dma_wait3A_18 = tpu.memref_slice %arg6[%dma_wait3A] : memref<5040xi32, #tpu.memory_space<vmem>> -> memref<80xi32, #tpu.memory_space<vmem>>
    %dma_wait3A_19 = arith.constant 0 : i32
    %dma_wait3A_20 = arith.constant 0 : i32
    %dma_wait3A_21 = tpu.memref_slice %arg2[%dma_wait3A_19, %dma_wait3A_20] : memref<10000x128xf32, #tpu.memory_space<hbm>> -> memref<10000x128xf32, #tpu.memory_space<hbm>>
    tpu.wait_indirect_dma semaphore(%arg12 : memref<!tpu.dma_semaphore, #tpu.memory_space<semaphore_mem>>) src(%dma_wait3A_21 : memref<10000x128xf32, #tpu.memory_space<hbm>>) dst(%arg8 : memref<80x128xf32, #tpu.memory_space<vmem>>)
    %dma_start3A_22 = arith.constant 0 : i32
    %dma_start3A_23 = tpu.memref_slice %arg7[%dma_start3A_22] : memref<5040xi32, #tpu.memory_space<vmem>> -> memref<80xi32, #tpu.memory_space<vmem>>
    %dma_start3A_24 = arith.constant 0 : i32
    %dma_start3A_25 = arith.constant 0 : i32
    %dma_start3A_26 = tpu.memref_slice %arg11[%dma_start3A_24, %dma_start3A_25] : memref<10000x128xf32, #tpu.memory_space<vmem_shared>> -> memref<10000x128xf32, #tpu.memory_space<vmem_shared>>
    tpu.enqueue_indirect_dma source(%arg8 : memref<80x128xf32, #tpu.memory_space<vmem>>) target(%dma_start3A_26 : memref<10000x128xf32, #tpu.memory_space<vmem_shared>>) offsets(%dma_start3A_23 : memref<80xi32, #tpu.memory_space<vmem>>) semaphore(%arg15 : memref<!tpu.dma_semaphore, #tpu.memory_space<semaphore_mem>>) {add = true}
    %dma_start3A_27 = arith.constant 160 : i32
    %dma_start3A_28 = tpu.memref_slice %arg6[%dma_start3A_27] : memref<5040xi32, #tpu.memory_space<vmem>> -> memref<80xi32, #tpu.memory_space<vmem>>
    %dma_start3A_29 = arith.constant 0 : i32
    %dma_start3A_30 = arith.constant 0 : i32
    %dma_start3A_31 = tpu.memref_slice %arg2[%dma_start3A_29, %dma_start3A_30] : memref<10000x128xf32, #tpu.memory_space<hbm>> -> memref<10000x128xf32, #tpu.memory_space<hbm>>
    tpu.enqueue_indirect_dma source(%dma_start3A_31 : memref<10000x128xf32, #tpu.memory_space<hbm>>) target(%arg10 : memref<80x128xf32, #tpu.memory_space<vmem>>) offsets(%dma_start3A_28 : memref<80xi32, #tpu.memory_space<vmem>>) semaphore(%arg14 : memref<!tpu.dma_semaphore, #tpu.memory_space<semaphore_mem>>)
    %scan3A = arith.constant 0 : i32
    %scan3A_32 = arith.constant 20 : i32
    %scan3A_33 = arith.addi %scan3A, %scan3A_32 : i32
    %scan3A_34 = arith.constant 1 : i32
    scf.for %scan3A_137 = %scan3A to %scan3A_33 step %scan3A_34  : i32 {
      %mul3A_138 = arith.constant 1 : i32
      %mul3A_139 = arith.muli %scan3A_137, %mul3A_138 : i32
      %add3A_140 = arith.constant 0 : i32
      %add3A_141 = arith.addi %add3A_140, %mul3A_139 : i32
      %mul3A_142 = arith.constant 3 : i32
      %mul3A_143 = arith.muli %mul3A_142, %add3A_141 : i32
      %add3A_144 = arith.constant 1 : i32
      %add3A_145 = arith.addi %add3A_144, %mul3A_143 : i32
      %add3A_146 = arith.constant 0 : i32
      %add3A_147 = arith.addi %add3A_145, %add3A_146 : i32
      %mul3A_148 = arith.constant 80 : i32
      %mul3A_149 = arith.muli %add3A_147, %mul3A_148 : i32
      %dma_wait3A_150 = tpu.memref_slice %arg6[%mul3A_149] : memref<5040xi32, #tpu.memory_space<vmem>> -> memref<80xi32, #tpu.memory_space<vmem>>
      %dma_wait3A_151 = arith.constant 0 : i32
      %dma_wait3A_152 = arith.constant 0 : i32
      %dma_wait3A_153 = tpu.memref_slice %arg2[%dma_wait3A_151, %dma_wait3A_152] : memref<10000x128xf32, #tpu.memory_space<hbm>> -> memref<10000x128xf32, #tpu.memory_space<hbm>>
      tpu.wait_indirect_dma semaphore(%arg13 : memref<!tpu.dma_semaphore, #tpu.memory_space<semaphore_mem>>) src(%dma_wait3A_153 : memref<10000x128xf32, #tpu.memory_space<hbm>>) dst(%arg9 : memref<80x128xf32, #tpu.memory_space<vmem>>)
      %mul3A_154 = arith.constant 80 : i32
      %mul3A_155 = arith.muli %add3A_147, %mul3A_154 : i32
      %dma_start3A_156 = tpu.memref_slice %arg7[%mul3A_155] : memref<5040xi32, #tpu.memory_space<vmem>> -> memref<80xi32, #tpu.memory_space<vmem>>
      %dma_start3A_157 = arith.constant 0 : i32
      %dma_start3A_158 = arith.constant 0 : i32
      %dma_start3A_159 = tpu.memref_slice %arg11[%dma_start3A_157, %dma_start3A_158] : memref<10000x128xf32, #tpu.memory_space<vmem_shared>> -> memref<10000x128xf32, #tpu.memory_space<vmem_shared>>
      tpu.enqueue_indirect_dma source(%arg9 : memref<80x128xf32, #tpu.memory_space<vmem>>) target(%dma_start3A_159 : memref<10000x128xf32, #tpu.memory_space<vmem_shared>>) offsets(%dma_start3A_156 : memref<80xi32, #tpu.memory_space<vmem>>) semaphore(%arg16 : memref<!tpu.dma_semaphore, #tpu.memory_space<semaphore_mem>>) {add = true}
      %sub3A = arith.constant 1 : i32
      %sub3A_160 = arith.subi %add3A_147, %sub3A : i32
      %mul3A_161 = arith.constant 80 : i32
      %mul3A_162 = arith.muli %sub3A_160, %mul3A_161 : i32
      %dma_wait3A_163 = tpu.memref_slice %arg7[%mul3A_162] : memref<5040xi32, #tpu.memory_space<vmem>> -> memref<80xi32, #tpu.memory_space<vmem>>
      %dma_wait3A_164 = arith.constant 0 : i32
      %dma_wait3A_165 = arith.constant 0 : i32
      %dma_wait3A_166 = tpu.memref_slice %arg11[%dma_wait3A_164, %dma_wait3A_165] : memref<10000x128xf32, #tpu.memory_space<vmem_shared>> -> memref<10000x128xf32, #tpu.memory_space<vmem_shared>>
      tpu.wait_indirect_dma semaphore(%arg15 : memref<!tpu.dma_semaphore, #tpu.memory_space<semaphore_mem>>) src(%arg8 : memref<80x128xf32, #tpu.memory_space<vmem>>) dst(%dma_wait3A_166 : memref<10000x128xf32, #tpu.memory_space<vmem_shared>>)
      %add3A_167 = arith.constant 2 : i32
      %add3A_168 = arith.addi %add3A_147, %add3A_167 : i32
      %lt3A_169 = arith.constant 63 : i32
      %lt3A_170 = arith.cmpi slt, %add3A_168, %lt3A_169 : i32
      %convert_element_type3A_171 = arith.extui %lt3A_170 : i1 to i32
      %cond3A_172 = arith.constant 0 : i32
      %cond3A_173 = arith.cmpi ne, %convert_element_type3A_171, %cond3A_172 : i32
      scf.if %cond3A_173 {
        %add3A_232 = arith.constant 2 : i32
        %add3A_233 = arith.addi %add3A_147, %add3A_232 : i32
        %mul3A_234 = arith.constant 80 : i32
        %mul3A_235 = arith.muli %add3A_233, %mul3A_234 : i32
        %dma_start3A_236 = tpu.memref_slice %arg6[%mul3A_235] : memref<5040xi32, #tpu.memory_space<vmem>> -> memref<80xi32, #tpu.memory_space<vmem>>
        %dma_start3A_237 = arith.constant 0 : i32
        %dma_start3A_238 = arith.constant 0 : i32
        %dma_start3A_239 = tpu.memref_slice %arg2[%dma_start3A_237, %dma_start3A_238] : memref<10000x128xf32, #tpu.memory_space<hbm>> -> memref<10000x128xf32, #tpu.memory_space<hbm>>
        tpu.enqueue_indirect_dma source(%dma_start3A_239 : memref<10000x128xf32, #tpu.memory_space<hbm>>) target(%arg8 : memref<80x128xf32, #tpu.memory_space<vmem>>) offsets(%dma_start3A_236 : memref<80xi32, #tpu.memory_space<vmem>>) semaphore(%arg12 : memref<!tpu.dma_semaphore, #tpu.memory_space<semaphore_mem>>)
      } else {
      }
      %add3A_174 = arith.constant 1 : i32
      %add3A_175 = arith.addi %add3A_145, %add3A_174 : i32
      %mul3A_176 = arith.constant 80 : i32
      %mul3A_177 = arith.muli %add3A_175, %mul3A_176 : i32
      %dma_wait3A_178 = tpu.memref_slice %arg6[%mul3A_177] : memref<5040xi32, #tpu.memory_space<vmem>> -> memref<80xi32, #tpu.memory_space<vmem>>
      %dma_wait3A_179 = arith.constant 0 : i32
      %dma_wait3A_180 = arith.constant 0 : i32
      %dma_wait3A_181 = tpu.memref_slice %arg2[%dma_wait3A_179, %dma_wait3A_180] : memref<10000x128xf32, #tpu.memory_space<hbm>> -> memref<10000x128xf32, #tpu.memory_space<hbm>>
      tpu.wait_indirect_dma semaphore(%arg14 : memref<!tpu.dma_semaphore, #tpu.memory_space<semaphore_mem>>) src(%dma_wait3A_181 : memref<10000x128xf32, #tpu.memory_space<hbm>>) dst(%arg10 : memref<80x128xf32, #tpu.memory_space<vmem>>)
      %mul3A_182 = arith.constant 80 : i32
      %mul3A_183 = arith.muli %add3A_175, %mul3A_182 : i32
      %dma_start3A_184 = tpu.memref_slice %arg7[%mul3A_183] : memref<5040xi32, #tpu.memory_space<vmem>> -> memref<80xi32, #tpu.memory_space<vmem>>
      %dma_start3A_185 = arith.constant 0 : i32
      %dma_start3A_186 = arith.constant 0 : i32
      %dma_start3A_187 = tpu.memref_slice %arg11[%dma_start3A_185, %dma_start3A_186] : memref<10000x128xf32, #tpu.memory_space<vmem_shared>> -> memref<10000x128xf32, #tpu.memory_space<vmem_shared>>
      tpu.enqueue_indirect_dma source(%arg10 : memref<80x128xf32, #tpu.memory_space<vmem>>) target(%dma_start3A_187 : memref<10000x128xf32, #tpu.memory_space<vmem_shared>>) offsets(%dma_start3A_184 : memref<80xi32, #tpu.memory_space<vmem>>) semaphore(%arg17 : memref<!tpu.dma_semaphore, #tpu.memory_space<semaphore_mem>>) {add = true}
      %sub3A_188 = arith.constant 1 : i32
      %sub3A_189 = arith.subi %add3A_175, %sub3A_188 : i32
      %mul3A_190 = arith.constant 80 : i32
      %mul3A_191 = arith.muli %sub3A_189, %mul3A_190 : i32
      %dma_wait3A_192 = tpu.memref_slice %arg7[%mul3A_191] : memref<5040xi32, #tpu.memory_space<vmem>> -> memref<80xi32, #tpu.memory_space<vmem>>
      %dma_wait3A_193 = arith.constant 0 : i32
      %dma_wait3A_194 = arith.constant 0 : i32
      %dma_wait3A_195 = tpu.memref_slice %arg11[%dma_wait3A_193, %dma_wait3A_194] : memref<10000x128xf32, #tpu.memory_space<vmem_shared>> -> memref<10000x128xf32, #tpu.memory_space<vmem_shared>>
      tpu.wait_indirect_dma semaphore(%arg16 : memref<!tpu.dma_semaphore, #tpu.memory_space<semaphore_mem>>) src(%arg9 : memref<80x128xf32, #tpu.memory_space<vmem>>) dst(%dma_wait3A_195 : memref<10000x128xf32, #tpu.memory_space<vmem_shared>>)
      %add3A_196 = arith.constant 2 : i32
      %add3A_197 = arith.addi %add3A_175, %add3A_196 : i32
      %lt3A_198 = arith.constant 63 : i32
      %lt3A_199 = arith.cmpi slt, %add3A_197, %lt3A_198 : i32
      %convert_element_type3A_200 = arith.extui %lt3A_199 : i1 to i32
      %cond3A_201 = arith.constant 0 : i32
      %cond3A_202 = arith.cmpi ne, %convert_element_type3A_200, %cond3A_201 : i32
      scf.if %cond3A_202 {
        %add3A_232 = arith.constant 2 : i32
        %add3A_233 = arith.addi %add3A_175, %add3A_232 : i32
        %mul3A_234 = arith.constant 80 : i32
        %mul3A_235 = arith.muli %add3A_233, %mul3A_234 : i32
        %dma_start3A_236 = tpu.memref_slice %arg6[%mul3A_235] : memref<5040xi32, #tpu.memory_space<vmem>> -> memref<80xi32, #tpu.memory_space<vmem>>
        %dma_start3A_237 = arith.constant 0 : i32
        %dma_start3A_238 = arith.constant 0 : i32
        %dma_start3A_239 = tpu.memref_slice %arg2[%dma_start3A_237, %dma_start3A_238] : memref<10000x128xf32, #tpu.memory_space<hbm>> -> memref<10000x128xf32, #tpu.memory_space<hbm>>
        tpu.enqueue_indirect_dma source(%dma_start3A_239 : memref<10000x128xf32, #tpu.memory_space<hbm>>) target(%arg9 : memref<80x128xf32, #tpu.memory_space<vmem>>) offsets(%dma_start3A_236 : memref<80xi32, #tpu.memory_space<vmem>>) semaphore(%arg13 : memref<!tpu.dma_semaphore, #tpu.memory_space<semaphore_mem>>)
      } else {
      }
      %add3A_203 = arith.constant 2 : i32
      %add3A_204 = arith.addi %add3A_145, %add3A_203 : i32
      %mul3A_205 = arith.constant 80 : i32
      %mul3A_206 = arith.muli %add3A_204, %mul3A_205 : i32
      %dma_wait3A_207 = tpu.memref_slice %arg6[%mul3A_206] : memref<5040xi32, #tpu.memory_space<vmem>> -> memref<80xi32, #tpu.memory_space<vmem>>
      %dma_wait3A_208 = arith.constant 0 : i32
      %dma_wait3A_209 = arith.constant 0 : i32
      %dma_wait3A_210 = tpu.memref_slice %arg2[%dma_wait3A_208, %dma_wait3A_209] : memref<10000x128xf32, #tpu.memory_space<hbm>> -> memref<10000x128xf32, #tpu.memory_space<hbm>>
      tpu.wait_indirect_dma semaphore(%arg12 : memref<!tpu.dma_semaphore, #tpu.memory_space<semaphore_mem>>) src(%dma_wait3A_210 : memref<10000x128xf32, #tpu.memory_space<hbm>>) dst(%arg8 : memref<80x128xf32, #tpu.memory_space<vmem>>)
      %mul3A_211 = arith.constant 80 : i32
      %mul3A_212 = arith.muli %add3A_204, %mul3A_211 : i32
      %dma_start3A_213 = tpu.memref_slice %arg7[%mul3A_212] : memref<5040xi32, #tpu.memory_space<vmem>> -> memref<80xi32, #tpu.memory_space<vmem>>
      %dma_start3A_214 = arith.constant 0 : i32
      %dma_start3A_215 = arith.constant 0 : i32
      %dma_start3A_216 = tpu.memref_slice %arg11[%dma_start3A_214, %dma_start3A_215] : memref<10000x128xf32, #tpu.memory_space<vmem_shared>> -> memref<10000x128xf32, #tpu.memory_space<vmem_shared>>
      tpu.enqueue_indirect_dma source(%arg8 : memref<80x128xf32, #tpu.memory_space<vmem>>) target(%dma_start3A_216 : memref<10000x128xf32, #tpu.memory_space<vmem_shared>>) offsets(%dma_start3A_213 : memref<80xi32, #tpu.memory_space<vmem>>) semaphore(%arg15 : memref<!tpu.dma_semaphore, #tpu.memory_space<semaphore_mem>>) {add = true}
      %sub3A_217 = arith.constant 1 : i32
      %sub3A_218 = arith.subi %add3A_204, %sub3A_217 : i32
      %mul3A_219 = arith.constant 80 : i32
      %mul3A_220 = arith.muli %sub3A_218, %mul3A_219 : i32
      %dma_wait3A_221 = tpu.memref_slice %arg7[%mul3A_220] : memref<5040xi32, #tpu.memory_space<vmem>> -> memref<80xi32, #tpu.memory_space<vmem>>
      %dma_wait3A_222 = arith.constant 0 : i32
      %dma_wait3A_223 = arith.constant 0 : i32
      %dma_wait3A_224 = tpu.memref_slice %arg11[%dma_wait3A_222, %dma_wait3A_223] : memref<10000x128xf32, #tpu.memory_space<vmem_shared>> -> memref<10000x128xf32, #tpu.memory_space<vmem_shared>>
      tpu.wait_indirect_dma semaphore(%arg17 : memref<!tpu.dma_semaphore, #tpu.memory_space<semaphore_mem>>) src(%arg10 : memref<80x128xf32, #tpu.memory_space<vmem>>) dst(%dma_wait3A_224 : memref<10000x128xf32, #tpu.memory_space<vmem_shared>>)
      %add3A_225 = arith.constant 2 : i32
      %add3A_226 = arith.addi %add3A_204, %add3A_225 : i32
      %lt3A_227 = arith.constant 63 : i32
      %lt3A_228 = arith.cmpi slt, %add3A_226, %lt3A_227 : i32
      %convert_element_type3A_229 = arith.extui %lt3A_228 : i1 to i32
      %cond3A_230 = arith.constant 0 : i32
      %cond3A_231 = arith.cmpi ne, %convert_element_type3A_229, %cond3A_230 : i32
      scf.if %cond3A_231 {
        %add3A_232 = arith.constant 2 : i32
        %add3A_233 = arith.addi %add3A_204, %add3A_232 : i32
        %mul3A_234 = arith.constant 80 : i32
        %mul3A_235 = arith.muli %add3A_233, %mul3A_234 : i32
        %dma_start3A_236 = tpu.memref_slice %arg6[%mul3A_235] : memref<5040xi32, #tpu.memory_space<vmem>> -> memref<80xi32, #tpu.memory_space<vmem>>
        %dma_start3A_237 = arith.constant 0 : i32
        %dma_start3A_238 = arith.constant 0 : i32
        %dma_start3A_239 = tpu.memref_slice %arg2[%dma_start3A_237, %dma_start3A_238] : memref<10000x128xf32, #tpu.memory_space<hbm>> -> memref<10000x128xf32, #tpu.memory_space<hbm>>
        tpu.enqueue_indirect_dma source(%dma_start3A_239 : memref<10000x128xf32, #tpu.memory_space<hbm>>) target(%arg10 : memref<80x128xf32, #tpu.memory_space<vmem>>) offsets(%dma_start3A_236 : memref<80xi32, #tpu.memory_space<vmem>>) semaphore(%arg14 : memref<!tpu.dma_semaphore, #tpu.memory_space<semaphore_mem>>)
      } else {
      }
    }
    %scan3A_35 = arith.constant 20 : i32
    %dma_wait3A_36 = arith.constant 4880 : i32
    %dma_wait3A_37 = tpu.memref_slice %arg6[%dma_wait3A_36] : memref<5040xi32, #tpu.memory_space<vmem>> -> memref<80xi32, #tpu.memory_space<vmem>>
    %dma_wait3A_38 = arith.constant 0 : i32
    %dma_wait3A_39 = arith.constant 0 : i32
    %dma_wait3A_40 = tpu.memref_slice %arg2[%dma_wait3A_38, %dma_wait3A_39] : memref<10000x128xf32, #tpu.memory_space<hbm>> -> memref<10000x128xf32, #tpu.memory_space<hbm>>
    tpu.wait_indirect_dma semaphore(%arg13 : memref<!tpu.dma_semaphore, #tpu.memory_space<semaphore_mem>>) src(%dma_wait3A_40 : memref<10000x128xf32, #tpu.memory_space<hbm>>) dst(%arg9 : memref<80x128xf32, #tpu.memory_space<vmem>>)
    %dma_start3A_41 = arith.constant 4880 : i32
    %dma_start3A_42 = tpu.memref_slice %arg7[%dma_start3A_41] : memref<5040xi32, #tpu.memory_space<vmem>> -> memref<80xi32, #tpu.memory_space<vmem>>
    %dma_start3A_43 = arith.constant 0 : i32
    %dma_start3A_44 = arith.constant 0 : i32
    %dma_start3A_45 = tpu.memref_slice %arg11[%dma_start3A_43, %dma_start3A_44] : memref<10000x128xf32, #tpu.memory_space<vmem_shared>> -> memref<10000x128xf32, #tpu.memory_space<vmem_shared>>
    tpu.enqueue_indirect_dma source(%arg9 : memref<80x128xf32, #tpu.memory_space<vmem>>) target(%dma_start3A_45 : memref<10000x128xf32, #tpu.memory_space<vmem_shared>>) offsets(%dma_start3A_42 : memref<80xi32, #tpu.memory_space<vmem>>) semaphore(%arg16 : memref<!tpu.dma_semaphore, #tpu.memory_space<semaphore_mem>>) {add = true}
    %dma_wait3A_46 = arith.constant 4800 : i32
    %dma_wait3A_47 = tpu.memref_slice %arg7[%dma_wait3A_46] : memref<5040xi32, #tpu.memory_space<vmem>> -> memref<80xi32, #tpu.memory_space<vmem>>
    %dma_wait3A_48 = arith.constant 0 : i32
    %dma_wait3A_49 = arith.constant 0 : i32
    %dma_wait3A_50 = tpu.memref_slice %arg11[%dma_wait3A_48, %dma_wait3A_49] : memref<10000x128xf32, #tpu.memory_space<vmem_shared>> -> memref<10000x128xf32, #tpu.memory_space<vmem_shared>>
    tpu.wait_indirect_dma semaphore(%arg15 : memref<!tpu.dma_semaphore, #tpu.memory_space<semaphore_mem>>) src(%arg8 : memref<80x128xf32, #tpu.memory_space<vmem>>) dst(%dma_wait3A_50 : memref<10000x128xf32, #tpu.memory_space<vmem_shared>>)
    %dma_wait3A_51 = arith.constant 4960 : i32
    %dma_wait3A_52 = tpu.memref_slice %arg6[%dma_wait3A_51] : memref<5040xi32, #tpu.memory_space<vmem>> -> memref<80xi32, #tpu.memory_space<vmem>>
    %dma_wait3A_53 = arith.constant 0 : i32
    %dma_wait3A_54 = arith.constant 0 : i32
    %dma_wait3A_55 = tpu.memref_slice %arg2[%dma_wait3A_53, %dma_wait3A_54] : memref<10000x128xf32, #tpu.memory_space<hbm>> -> memref<10000x128xf32, #tpu.memory_space<hbm>>
    tpu.wait_indirect_dma semaphore(%arg14 : memref<!tpu.dma_semaphore, #tpu.memory_space<semaphore_mem>>) src(%dma_wait3A_55 : memref<10000x128xf32, #tpu.memory_space<hbm>>) dst(%arg10 : memref<80x128xf32, #tpu.memory_space<vmem>>)
    %dma_start3A_56 = arith.constant 4960 : i32
    %dma_start3A_57 = tpu.memref_slice %arg7[%dma_start3A_56] : memref<5040xi32, #tpu.memory_space<vmem>> -> memref<80xi32, #tpu.memory_space<vmem>>
    %dma_start3A_58 = arith.constant 0 : i32
    %dma_start3A_59 = arith.constant 0 : i32
    %dma_start3A_60 = tpu.memref_slice %arg11[%dma_start3A_58, %dma_start3A_59] : memref<10000x128xf32, #tpu.memory_space<vmem_shared>> -> memref<10000x128xf32, #tpu.memory_space<vmem_shared>>
    tpu.enqueue_indirect_dma source(%arg10 : memref<80x128xf32, #tpu.memory_space<vmem>>) target(%dma_start3A_60 : memref<10000x128xf32, #tpu.memory_space<vmem_shared>>) offsets(%dma_start3A_57 : memref<80xi32, #tpu.memory_space<vmem>>) semaphore(%arg17 : memref<!tpu.dma_semaphore, #tpu.memory_space<semaphore_mem>>) {add = true}
    %dma_wait3A_61 = arith.constant 4880 : i32
    %dma_wait3A_62 = tpu.memref_slice %arg7[%dma_wait3A_61] : memref<5040xi32, #tpu.memory_space<vmem>> -> memref<80xi32, #tpu.memory_space<vmem>>
    %dma_wait3A_63 = arith.constant 0 : i32
    %dma_wait3A_64 = arith.constant 0 : i32
    %dma_wait3A_65 = tpu.memref_slice %arg11[%dma_wait3A_63, %dma_wait3A_64] : memref<10000x128xf32, #tpu.memory_space<vmem_shared>> -> memref<10000x128xf32, #tpu.memory_space<vmem_shared>>
    tpu.wait_indirect_dma semaphore(%arg16 : memref<!tpu.dma_semaphore, #tpu.memory_space<semaphore_mem>>) src(%arg9 : memref<80x128xf32, #tpu.memory_space<vmem>>) dst(%dma_wait3A_65 : memref<10000x128xf32, #tpu.memory_space<vmem_shared>>)
    %dma_wait3A_66 = arith.constant 4960 : i32
    %dma_wait3A_67 = tpu.memref_slice %arg7[%dma_wait3A_66] : memref<5040xi32, #tpu.memory_space<vmem>> -> memref<80xi32, #tpu.memory_space<vmem>>
    %dma_wait3A_68 = arith.constant 0 : i32
    %dma_wait3A_69 = arith.constant 0 : i32
    %dma_wait3A_70 = tpu.memref_slice %arg11[%dma_wait3A_68, %dma_wait3A_69] : memref<10000x128xf32, #tpu.memory_space<vmem_shared>> -> memref<10000x128xf32, #tpu.memory_space<vmem_shared>>
    tpu.wait_indirect_dma semaphore(%arg17 : memref<!tpu.dma_semaphore, #tpu.memory_space<semaphore_mem>>) src(%arg10 : memref<80x128xf32, #tpu.memory_space<vmem>>) dst(%dma_wait3A_70 : memref<10000x128xf32, #tpu.memory_space<vmem_shared>>)
    %mul3A_71 = arith.constant 10000 : i32
    %mul3A_72 = arith.muli %add3A, %mul3A_71 : i32
    %add3A_73 = arith.constant 5040 : i32
    %add3A_74 = arith.addi %mul3A_72, %add3A_73 : i32
    "tpu.region"() ({
      %run_scoped3A = tpu.sem_alloc : memref<!tpu.dma_semaphore, #tpu.memory_space<semaphore_mem>>
      %dma_start3A_137 = arith.constant 0 : i32
      %dma_start3A_138 = tpu.memref_slice %arg6[%dma_start3A_137] : memref<5040xi32, #tpu.memory_space<vmem>> -> memref<4960xi32, #tpu.memory_space<vmem>>
      %dma_start3A_139 = tpu.memref_slice %arg3[%add3A_74] : memref<640000xi32, #tpu.memory_space<hbm>> -> memref<4960xi32, #tpu.memory_space<hbm>>
      %dma_start3A_140 = arith.constant 0 : i32
      %dma_start3A_141 = tpu.memref_slice %arg6[%dma_start3A_140] : memref<5040xi32, #tpu.memory_space<vmem>> -> memref<4960xi32, #tpu.memory_space<vmem>>
      %dma_start3A_142 = tpu.memref_slice %arg3[%add3A_74] : memref<640000xi32, #tpu.memory_space<hbm>> -> memref<4960xi32, #tpu.memory_space<hbm>>
      tpu.enqueue_dma source(%dma_start3A_142 : memref<4960xi32, #tpu.memory_space<hbm>>) target(%dma_start3A_141 : memref<4960xi32, #tpu.memory_space<vmem>>) target_semaphore(%run_scoped3A : memref<!tpu.dma_semaphore, #tpu.memory_space<semaphore_mem>>)
      %dma_wait3A_143 = arith.constant 0 : i32
      %dma_wait3A_144 = tpu.memref_slice %arg6[%dma_wait3A_143] : memref<5040xi32, #tpu.memory_space<vmem>> -> memref<4960xi32, #tpu.memory_space<vmem>>
      %dma_wait3A_145 = tpu.memref_slice %arg3[%add3A_74] : memref<640000xi32, #tpu.memory_space<hbm>> -> memref<4960xi32, #tpu.memory_space<hbm>>
      %dma_wait3A_146 = arith.constant 0 : i32
      %dma_wait3A_147 = tpu.memref_slice %arg6[%dma_wait3A_146] : memref<5040xi32, #tpu.memory_space<vmem>> -> memref<4960xi32, #tpu.memory_space<vmem>>
      %dma_wait3A_148 = tpu.memref_slice %arg3[%add3A_74] : memref<640000xi32, #tpu.memory_space<hbm>> -> memref<4960xi32, #tpu.memory_space<hbm>>
      tpu.wait_dma2 semaphore(%run_scoped3A : memref<!tpu.dma_semaphore, #tpu.memory_space<semaphore_mem>>) src(%dma_wait3A_148 : memref<4960xi32, #tpu.memory_space<hbm>>) dst(%dma_wait3A_147 : memref<4960xi32, #tpu.memory_space<vmem>>)
      tpu.yield
    }) : () -> ()
    %mul3A_75 = arith.constant 10000 : i32
    %mul3A_76 = arith.muli %add3A, %mul3A_75 : i32
    %add3A_77 = arith.constant 320000 : i32
    %add3A_78 = arith.addi %add3A_77, %mul3A_76 : i32
    %add3A_79 = arith.constant 5040 : i32
    %add3A_80 = arith.addi %add3A_78, %add3A_79 : i32
    "tpu.region"() ({
      %run_scoped3A = tpu.sem_alloc : memref<!tpu.dma_semaphore, #tpu.memory_space<semaphore_mem>>
      %dma_start3A_137 = arith.constant 0 : i32
      %dma_start3A_138 = tpu.memref_slice %arg7[%dma_start3A_137] : memref<5040xi32, #tpu.memory_space<vmem>> -> memref<4960xi32, #tpu.memory_space<vmem>>
      %dma_start3A_139 = tpu.memref_slice %arg3[%add3A_80] : memref<640000xi32, #tpu.memory_space<hbm>> -> memref<4960xi32, #tpu.memory_space<hbm>>
      %dma_start3A_140 = arith.constant 0 : i32
      %dma_start3A_141 = tpu.memref_slice %arg7[%dma_start3A_140] : memref<5040xi32, #tpu.memory_space<vmem>> -> memref<4960xi32, #tpu.memory_space<vmem>>
      %dma_start3A_142 = tpu.memref_slice %arg3[%add3A_80] : memref<640000xi32, #tpu.memory_space<hbm>> -> memref<4960xi32, #tpu.memory_space<hbm>>
      tpu.enqueue_dma source(%dma_start3A_142 : memref<4960xi32, #tpu.memory_space<hbm>>) target(%dma_start3A_141 : memref<4960xi32, #tpu.memory_space<vmem>>) target_semaphore(%run_scoped3A : memref<!tpu.dma_semaphore, #tpu.memory_space<semaphore_mem>>)
      %dma_wait3A_143 = arith.constant 0 : i32
      %dma_wait3A_144 = tpu.memref_slice %arg7[%dma_wait3A_143] : memref<5040xi32, #tpu.memory_space<vmem>> -> memref<4960xi32, #tpu.memory_space<vmem>>
      %dma_wait3A_145 = tpu.memref_slice %arg3[%add3A_80] : memref<640000xi32, #tpu.memory_space<hbm>> -> memref<4960xi32, #tpu.memory_space<hbm>>
      %dma_wait3A_146 = arith.constant 0 : i32
      %dma_wait3A_147 = tpu.memref_slice %arg7[%dma_wait3A_146] : memref<5040xi32, #tpu.memory_space<vmem>> -> memref<4960xi32, #tpu.memory_space<vmem>>
      %dma_wait3A_148 = tpu.memref_slice %arg3[%add3A_80] : memref<640000xi32, #tpu.memory_space<hbm>> -> memref<4960xi32, #tpu.memory_space<hbm>>
      tpu.wait_dma2 semaphore(%run_scoped3A : memref<!tpu.dma_semaphore, #tpu.memory_space<semaphore_mem>>) src(%dma_wait3A_148 : memref<4960xi32, #tpu.memory_space<hbm>>) dst(%dma_wait3A_147 : memref<4960xi32, #tpu.memory_space<vmem>>)
      tpu.yield
    }) : () -> ()
    %dma_start3A_81 = arith.constant 0 : i32
    %dma_start3A_82 = tpu.memref_slice %arg6[%dma_start3A_81] : memref<5040xi32, #tpu.memory_space<vmem>> -> memref<80xi32, #tpu.memory_space<vmem>>
    %dma_start3A_83 = arith.constant 0 : i32
    %dma_start3A_84 = arith.constant 0 : i32
    %dma_start3A_85 = tpu.memref_slice %arg2[%dma_start3A_83, %dma_start3A_84] : memref<10000x128xf32, #tpu.memory_space<hbm>> -> memref<10000x128xf32, #tpu.memory_space<hbm>>
    tpu.enqueue_indirect_dma source(%dma_start3A_85 : memref<10000x128xf32, #tpu.memory_space<hbm>>) target(%arg8 : memref<80x128xf32, #tpu.memory_space<vmem>>) offsets(%dma_start3A_82 : memref<80xi32, #tpu.memory_space<vmem>>) semaphore(%arg12 : memref<!tpu.dma_semaphore, #tpu.memory_space<semaphore_mem>>)
    %dma_start3A_86 = arith.constant 80 : i32
    %dma_start3A_87 = tpu.memref_slice %arg6[%dma_start3A_86] : memref<5040xi32, #tpu.memory_space<vmem>> -> memref<80xi32, #tpu.memory_space<vmem>>
    %dma_start3A_88 = arith.constant 0 : i32
    %dma_start3A_89 = arith.constant 0 : i32
    %dma_start3A_90 = tpu.memref_slice %arg2[%dma_start3A_88, %dma_start3A_89] : memref<10000x128xf32, #tpu.memory_space<hbm>> -> memref<10000x128xf32, #tpu.memory_space<hbm>>
    tpu.enqueue_indirect_dma source(%dma_start3A_90 : memref<10000x128xf32, #tpu.memory_space<hbm>>) target(%arg9 : memref<80x128xf32, #tpu.memory_space<vmem>>) offsets(%dma_start3A_87 : memref<80xi32, #tpu.memory_space<vmem>>) semaphore(%arg13 : memref<!tpu.dma_semaphore, #tpu.memory_space<semaphore_mem>>)
    %dma_wait3A_91 = arith.constant 0 : i32
    %dma_wait3A_92 = tpu.memref_slice %arg6[%dma_wait3A_91] : memref<5040xi32, #tpu.memory_space<vmem>> -> memref<80xi32, #tpu.memory_space<vmem>>
    %dma_wait3A_93 = arith.constant 0 : i32
    %dma_wait3A_94 = arith.constant 0 : i32
    %dma_wait3A_95 = tpu.memref_slice %arg2[%dma_wait3A_93, %dma_wait3A_94] : memref<10000x128xf32, #tpu.memory_space<hbm>> -> memref<10000x128xf32, #tpu.memory_space<hbm>>
    tpu.wait_indirect_dma semaphore(%arg12 : memref<!tpu.dma_semaphore, #tpu.memory_space<semaphore_mem>>) src(%dma_wait3A_95 : memref<10000x128xf32, #tpu.memory_space<hbm>>) dst(%arg8 : memref<80x128xf32, #tpu.memory_space<vmem>>)
    %dma_start3A_96 = arith.constant 0 : i32
    %dma_start3A_97 = tpu.memref_slice %arg7[%dma_start3A_96] : memref<5040xi32, #tpu.memory_space<vmem>> -> memref<80xi32, #tpu.memory_space<vmem>>
    %dma_start3A_98 = arith.constant 0 : i32
    %dma_start3A_99 = arith.constant 0 : i32
    %dma_start3A_100 = tpu.memref_slice %arg11[%dma_start3A_98, %dma_start3A_99] : memref<10000x128xf32, #tpu.memory_space<vmem_shared>> -> memref<10000x128xf32, #tpu.memory_space<vmem_shared>>
    tpu.enqueue_indirect_dma source(%arg8 : memref<80x128xf32, #tpu.memory_space<vmem>>) target(%dma_start3A_100 : memref<10000x128xf32, #tpu.memory_space<vmem_shared>>) offsets(%dma_start3A_97 : memref<80xi32, #tpu.memory_space<vmem>>) semaphore(%arg15 : memref<!tpu.dma_semaphore, #tpu.memory_space<semaphore_mem>>) {add = true}
    %dma_start3A_101 = arith.constant 160 : i32
    %dma_start3A_102 = tpu.memref_slice %arg6[%dma_start3A_101] : memref<5040xi32, #tpu.memory_space<vmem>> -> memref<80xi32, #tpu.memory_space<vmem>>
    %dma_start3A_103 = arith.constant 0 : i32
    %dma_start3A_104 = arith.constant 0 : i32
    %dma_start3A_105 = tpu.memref_slice %arg2[%dma_start3A_103, %dma_start3A_104] : memref<10000x128xf32, #tpu.memory_space<hbm>> -> memref<10000x128xf32, #tpu.memory_space<hbm>>
    tpu.enqueue_indirect_dma source(%dma_start3A_105 : memref<10000x128xf32, #tpu.memory_space<hbm>>) target(%arg10 : memref<80x128xf32, #tpu.memory_space<vmem>>) offsets(%dma_start3A_102 : memref<80xi32, #tpu.memory_space<vmem>>) semaphore(%arg14 : memref<!tpu.dma_semaphore, #tpu.memory_space<semaphore_mem>>)
    %scan3A_106 = arith.constant 0 : i32
    %scan3A_107 = arith.constant 20 : i32
    %scan3A_108 = arith.addi %scan3A_106, %scan3A_107 : i32
    %scan3A_109 = arith.constant 1 : i32
    scf.for %scan3A_137 = %scan3A_106 to %scan3A_108 step %scan3A_109  : i32 {
      %mul3A_138 = arith.constant 1 : i32
      %mul3A_139 = arith.muli %scan3A_137, %mul3A_138 : i32
      %add3A_140 = arith.constant 0 : i32
      %add3A_141 = arith.addi %add3A_140, %mul3A_139 : i32
      %mul3A_142 = arith.constant 3 : i32
      %mul3A_143 = arith.muli %mul3A_142, %add3A_141 : i32
      %add3A_144 = arith.constant 1 : i32
      %add3A_145 = arith.addi %add3A_144, %mul3A_143 : i32
      %add3A_146 = arith.constant 0 : i32
      %add3A_147 = arith.addi %add3A_145, %add3A_146 : i32
      %mul3A_148 = arith.constant 80 : i32
      %mul3A_149 = arith.muli %add3A_147, %mul3A_148 : i32
      %dma_wait3A_150 = tpu.memref_slice %arg6[%mul3A_149] : memref<5040xi32, #tpu.memory_space<vmem>> -> memref<80xi32, #tpu.memory_space<vmem>>
      %dma_wait3A_151 = arith.constant 0 : i32
      %dma_wait3A_152 = arith.constant 0 : i32
      %dma_wait3A_153 = tpu.memref_slice %arg2[%dma_wait3A_151, %dma_wait3A_152] : memref<10000x128xf32, #tpu.memory_space<hbm>> -> memref<10000x128xf32, #tpu.memory_space<hbm>>
      tpu.wait_indirect_dma semaphore(%arg13 : memref<!tpu.dma_semaphore, #tpu.memory_space<semaphore_mem>>) src(%dma_wait3A_153 : memref<10000x128xf32, #tpu.memory_space<hbm>>) dst(%arg9 : memref<80x128xf32, #tpu.memory_space<vmem>>)
      %mul3A_154 = arith.constant 80 : i32
      %mul3A_155 = arith.muli %add3A_147, %mul3A_154 : i32
      %dma_start3A_156 = tpu.memref_slice %arg7[%mul3A_155] : memref<5040xi32, #tpu.memory_space<vmem>> -> memref<80xi32, #tpu.memory_space<vmem>>
      %dma_start3A_157 = arith.constant 0 : i32
      %dma_start3A_158 = arith.constant 0 : i32
      %dma_start3A_159 = tpu.memref_slice %arg11[%dma_start3A_157, %dma_start3A_158] : memref<10000x128xf32, #tpu.memory_space<vmem_shared>> -> memref<10000x128xf32, #tpu.memory_space<vmem_shared>>
      tpu.enqueue_indirect_dma source(%arg9 : memref<80x128xf32, #tpu.memory_space<vmem>>) target(%dma_start3A_159 : memref<10000x128xf32, #tpu.memory_space<vmem_shared>>) offsets(%dma_start3A_156 : memref<80xi32, #tpu.memory_space<vmem>>) semaphore(%arg16 : memref<!tpu.dma_semaphore, #tpu.memory_space<semaphore_mem>>) {add = true}
      %sub3A = arith.constant 1 : i32
      %sub3A_160 = arith.subi %add3A_147, %sub3A : i32
      %mul3A_161 = arith.constant 80 : i32
      %mul3A_162 = arith.muli %sub3A_160, %mul3A_161 : i32
      %dma_wait3A_163 = tpu.memref_slice %arg7[%mul3A_162] : memref<5040xi32, #tpu.memory_space<vmem>> -> memref<80xi32, #tpu.memory_space<vmem>>
      %dma_wait3A_164 = arith.constant 0 : i32
      %dma_wait3A_165 = arith.constant 0 : i32
      %dma_wait3A_166 = tpu.memref_slice %arg11[%dma_wait3A_164, %dma_wait3A_165] : memref<10000x128xf32, #tpu.memory_space<vmem_shared>> -> memref<10000x128xf32, #tpu.memory_space<vmem_shared>>
      tpu.wait_indirect_dma semaphore(%arg15 : memref<!tpu.dma_semaphore, #tpu.memory_space<semaphore_mem>>) src(%arg8 : memref<80x128xf32, #tpu.memory_space<vmem>>) dst(%dma_wait3A_166 : memref<10000x128xf32, #tpu.memory_space<vmem_shared>>)
      %add3A_167 = arith.constant 2 : i32
      %add3A_168 = arith.addi %add3A_147, %add3A_167 : i32
      %lt3A_169 = arith.constant 62 : i32
      %lt3A_170 = arith.cmpi slt, %add3A_168, %lt3A_169 : i32
      %convert_element_type3A_171 = arith.extui %lt3A_170 : i1 to i32
      %cond3A_172 = arith.constant 0 : i32
      %cond3A_173 = arith.cmpi ne, %convert_element_type3A_171, %cond3A_172 : i32
      scf.if %cond3A_173 {
        %add3A_232 = arith.constant 2 : i32
        %add3A_233 = arith.addi %add3A_147, %add3A_232 : i32
        %mul3A_234 = arith.constant 80 : i32
        %mul3A_235 = arith.muli %add3A_233, %mul3A_234 : i32
        %dma_start3A_236 = tpu.memref_slice %arg6[%mul3A_235] : memref<5040xi32, #tpu.memory_space<vmem>> -> memref<80xi32, #tpu.memory_space<vmem>>
        %dma_start3A_237 = arith.constant 0 : i32
        %dma_start3A_238 = arith.constant 0 : i32
        %dma_start3A_239 = tpu.memref_slice %arg2[%dma_start3A_237, %dma_start3A_238] : memref<10000x128xf32, #tpu.memory_space<hbm>> -> memref<10000x128xf32, #tpu.memory_space<hbm>>
        tpu.enqueue_indirect_dma source(%dma_start3A_239 : memref<10000x128xf32, #tpu.memory_space<hbm>>) target(%arg8 : memref<80x128xf32, #tpu.memory_space<vmem>>) offsets(%dma_start3A_236 : memref<80xi32, #tpu.memory_space<vmem>>) semaphore(%arg12 : memref<!tpu.dma_semaphore, #tpu.memory_space<semaphore_mem>>)
      } else {
      }
      %add3A_174 = arith.constant 1 : i32
      %add3A_175 = arith.addi %add3A_145, %add3A_174 : i32
      %mul3A_176 = arith.constant 80 : i32
      %mul3A_177 = arith.muli %add3A_175, %mul3A_176 : i32
      %dma_wait3A_178 = tpu.memref_slice %arg6[%mul3A_177] : memref<5040xi32, #tpu.memory_space<vmem>> -> memref<80xi32, #tpu.memory_space<vmem>>
      %dma_wait3A_179 = arith.constant 0 : i32
      %dma_wait3A_180 = arith.constant 0 : i32
      %dma_wait3A_181 = tpu.memref_slice %arg2[%dma_wait3A_179, %dma_wait3A_180] : memref<10000x128xf32, #tpu.memory_space<hbm>> -> memref<10000x128xf32, #tpu.memory_space<hbm>>
      tpu.wait_indirect_dma semaphore(%arg14 : memref<!tpu.dma_semaphore, #tpu.memory_space<semaphore_mem>>) src(%dma_wait3A_181 : memref<10000x128xf32, #tpu.memory_space<hbm>>) dst(%arg10 : memref<80x128xf32, #tpu.memory_space<vmem>>)
      %mul3A_182 = arith.constant 80 : i32
      %mul3A_183 = arith.muli %add3A_175, %mul3A_182 : i32
      %dma_start3A_184 = tpu.memref_slice %arg7[%mul3A_183] : memref<5040xi32, #tpu.memory_space<vmem>> -> memref<80xi32, #tpu.memory_space<vmem>>
      %dma_start3A_185 = arith.constant 0 : i32
      %dma_start3A_186 = arith.constant 0 : i32
      %dma_start3A_187 = tpu.memref_slice %arg11[%dma_start3A_185, %dma_start3A_186] : memref<10000x128xf32, #tpu.memory_space<vmem_shared>> -> memref<10000x128xf32, #tpu.memory_space<vmem_shared>>
      tpu.enqueue_indirect_dma source(%arg10 : memref<80x128xf32, #tpu.memory_space<vmem>>) target(%dma_start3A_187 : memref<10000x128xf32, #tpu.memory_space<vmem_shared>>) offsets(%dma_start3A_184 : memref<80xi32, #tpu.memory_space<vmem>>) semaphore(%arg17 : memref<!tpu.dma_semaphore, #tpu.memory_space<semaphore_mem>>) {add = true}
      %sub3A_188 = arith.constant 1 : i32
      %sub3A_189 = arith.subi %add3A_175, %sub3A_188 : i32
      %mul3A_190 = arith.constant 80 : i32
      %mul3A_191 = arith.muli %sub3A_189, %mul3A_190 : i32
      %dma_wait3A_192 = tpu.memref_slice %arg7[%mul3A_191] : memref<5040xi32, #tpu.memory_space<vmem>> -> memref<80xi32, #tpu.memory_space<vmem>>
      %dma_wait3A_193 = arith.constant 0 : i32
      %dma_wait3A_194 = arith.constant 0 : i32
      %dma_wait3A_195 = tpu.memref_slice %arg11[%dma_wait3A_193, %dma_wait3A_194] : memref<10000x128xf32, #tpu.memory_space<vmem_shared>> -> memref<10000x128xf32, #tpu.memory_space<vmem_shared>>
      tpu.wait_indirect_dma semaphore(%arg16 : memref<!tpu.dma_semaphore, #tpu.memory_space<semaphore_mem>>) src(%arg9 : memref<80x128xf32, #tpu.memory_space<vmem>>) dst(%dma_wait3A_195 : memref<10000x128xf32, #tpu.memory_space<vmem_shared>>)
      %add3A_196 = arith.constant 2 : i32
      %add3A_197 = arith.addi %add3A_175, %add3A_196 : i32
      %lt3A_198 = arith.constant 62 : i32
      %lt3A_199 = arith.cmpi slt, %add3A_197, %lt3A_198 : i32
      %convert_element_type3A_200 = arith.extui %lt3A_199 : i1 to i32
      %cond3A_201 = arith.constant 0 : i32
      %cond3A_202 = arith.cmpi ne, %convert_element_type3A_200, %cond3A_201 : i32
      scf.if %cond3A_202 {
        %add3A_232 = arith.constant 2 : i32
        %add3A_233 = arith.addi %add3A_175, %add3A_232 : i32
        %mul3A_234 = arith.constant 80 : i32
        %mul3A_235 = arith.muli %add3A_233, %mul3A_234 : i32
        %dma_start3A_236 = tpu.memref_slice %arg6[%mul3A_235] : memref<5040xi32, #tpu.memory_space<vmem>> -> memref<80xi32, #tpu.memory_space<vmem>>
        %dma_start3A_237 = arith.constant 0 : i32
        %dma_start3A_238 = arith.constant 0 : i32
        %dma_start3A_239 = tpu.memref_slice %arg2[%dma_start3A_237, %dma_start3A_238] : memref<10000x128xf32, #tpu.memory_space<hbm>> -> memref<10000x128xf32, #tpu.memory_space<hbm>>
        tpu.enqueue_indirect_dma source(%dma_start3A_239 : memref<10000x128xf32, #tpu.memory_space<hbm>>) target(%arg9 : memref<80x128xf32, #tpu.memory_space<vmem>>) offsets(%dma_start3A_236 : memref<80xi32, #tpu.memory_space<vmem>>) semaphore(%arg13 : memref<!tpu.dma_semaphore, #tpu.memory_space<semaphore_mem>>)
      } else {
      }
      %add3A_203 = arith.constant 2 : i32
      %add3A_204 = arith.addi %add3A_145, %add3A_203 : i32
      %mul3A_205 = arith.constant 80 : i32
      %mul3A_206 = arith.muli %add3A_204, %mul3A_205 : i32
      %dma_wait3A_207 = tpu.memref_slice %arg6[%mul3A_206] : memref<5040xi32, #tpu.memory_space<vmem>> -> memref<80xi32, #tpu.memory_space<vmem>>
      %dma_wait3A_208 = arith.constant 0 : i32
      %dma_wait3A_209 = arith.constant 0 : i32
      %dma_wait3A_210 = tpu.memref_slice %arg2[%dma_wait3A_208, %dma_wait3A_209] : memref<10000x128xf32, #tpu.memory_space<hbm>> -> memref<10000x128xf32, #tpu.memory_space<hbm>>
      tpu.wait_indirect_dma semaphore(%arg12 : memref<!tpu.dma_semaphore, #tpu.memory_space<semaphore_mem>>) src(%dma_wait3A_210 : memref<10000x128xf32, #tpu.memory_space<hbm>>) dst(%arg8 : memref<80x128xf32, #tpu.memory_space<vmem>>)
      %mul3A_211 = arith.constant 80 : i32
      %mul3A_212 = arith.muli %add3A_204, %mul3A_211 : i32
      %dma_start3A_213 = tpu.memref_slice %arg7[%mul3A_212] : memref<5040xi32, #tpu.memory_space<vmem>> -> memref<80xi32, #tpu.memory_space<vmem>>
      %dma_start3A_214 = arith.constant 0 : i32
      %dma_start3A_215 = arith.constant 0 : i32
      %dma_start3A_216 = tpu.memref_slice %arg11[%dma_start3A_214, %dma_start3A_215] : memref<10000x128xf32, #tpu.memory_space<vmem_shared>> -> memref<10000x128xf32, #tpu.memory_space<vmem_shared>>
      tpu.enqueue_indirect_dma source(%arg8 : memref<80x128xf32, #tpu.memory_space<vmem>>) target(%dma_start3A_216 : memref<10000x128xf32, #tpu.memory_space<vmem_shared>>) offsets(%dma_start3A_213 : memref<80xi32, #tpu.memory_space<vmem>>) semaphore(%arg15 : memref<!tpu.dma_semaphore, #tpu.memory_space<semaphore_mem>>) {add = true}
      %sub3A_217 = arith.constant 1 : i32
      %sub3A_218 = arith.subi %add3A_204, %sub3A_217 : i32
      %mul3A_219 = arith.constant 80 : i32
      %mul3A_220 = arith.muli %sub3A_218, %mul3A_219 : i32
      %dma_wait3A_221 = tpu.memref_slice %arg7[%mul3A_220] : memref<5040xi32, #tpu.memory_space<vmem>> -> memref<80xi32, #tpu.memory_space<vmem>>
      %dma_wait3A_222 = arith.constant 0 : i32
      %dma_wait3A_223 = arith.constant 0 : i32
      %dma_wait3A_224 = tpu.memref_slice %arg11[%dma_wait3A_222, %dma_wait3A_223] : memref<10000x128xf32, #tpu.memory_space<vmem_shared>> -> memref<10000x128xf32, #tpu.memory_space<vmem_shared>>
      tpu.wait_indirect_dma semaphore(%arg17 : memref<!tpu.dma_semaphore, #tpu.memory_space<semaphore_mem>>) src(%arg10 : memref<80x128xf32, #tpu.memory_space<vmem>>) dst(%dma_wait3A_224 : memref<10000x128xf32, #tpu.memory_space<vmem_shared>>)
      %add3A_225 = arith.constant 2 : i32
      %add3A_226 = arith.addi %add3A_204, %add3A_225 : i32
      %lt3A_227 = arith.constant 62 : i32
      %lt3A_228 = arith.cmpi slt, %add3A_226, %lt3A_227 : i32
      %convert_element_type3A_229 = arith.extui %lt3A_228 : i1 to i32
      %cond3A_230 = arith.constant 0 : i32
      %cond3A_231 = arith.cmpi ne, %convert_element_type3A_229, %cond3A_230 : i32
      scf.if %cond3A_231 {
        %add3A_232 = arith.constant 2 : i32
        %add3A_233 = arith.addi %add3A_204, %add3A_232 : i32
        %mul3A_234 = arith.constant 80 : i32
        %mul3A_235 = arith.muli %add3A_233, %mul3A_234 : i32
        %dma_start3A_236 = tpu.memref_slice %arg6[%mul3A_235] : memref<5040xi32, #tpu.memory_space<vmem>> -> memref<80xi32, #tpu.memory_space<vmem>>
        %dma_start3A_237 = arith.constant 0 : i32
        %dma_start3A_238 = arith.constant 0 : i32
        %dma_start3A_239 = tpu.memref_slice %arg2[%dma_start3A_237, %dma_start3A_238] : memref<10000x128xf32, #tpu.memory_space<hbm>> -> memref<10000x128xf32, #tpu.memory_space<hbm>>
        tpu.enqueue_indirect_dma source(%dma_start3A_239 : memref<10000x128xf32, #tpu.memory_space<hbm>>) target(%arg10 : memref<80x128xf32, #tpu.memory_space<vmem>>) offsets(%dma_start3A_236 : memref<80xi32, #tpu.memory_space<vmem>>) semaphore(%arg14 : memref<!tpu.dma_semaphore, #tpu.memory_space<semaphore_mem>>)
      } else {
      }
    }
    %scan3A_110 = arith.constant 20 : i32
    %dma_wait3A_111 = arith.constant 4880 : i32
    %dma_wait3A_112 = tpu.memref_slice %arg6[%dma_wait3A_111] : memref<5040xi32, #tpu.memory_space<vmem>> -> memref<80xi32, #tpu.memory_space<vmem>>
    %dma_wait3A_113 = arith.constant 0 : i32
    %dma_wait3A_114 = arith.constant 0 : i32
    %dma_wait3A_115 = tpu.memref_slice %arg2[%dma_wait3A_113, %dma_wait3A_114] : memref<10000x128xf32, #tpu.memory_space<hbm>> -> memref<10000x128xf32, #tpu.memory_space<hbm>>
    tpu.wait_indirect_dma semaphore(%arg13 : memref<!tpu.dma_semaphore, #tpu.memory_space<semaphore_mem>>) src(%dma_wait3A_115 : memref<10000x128xf32, #tpu.memory_space<hbm>>) dst(%arg9 : memref<80x128xf32, #tpu.memory_space<vmem>>)
    %dma_start3A_116 = arith.constant 4880 : i32
    %dma_start3A_117 = tpu.memref_slice %arg7[%dma_start3A_116] : memref<5040xi32, #tpu.memory_space<vmem>> -> memref<80xi32, #tpu.memory_space<vmem>>
    %dma_start3A_118 = arith.constant 0 : i32
    %dma_start3A_119 = arith.constant 0 : i32
    %dma_start3A_120 = tpu.memref_slice %arg11[%dma_start3A_118, %dma_start3A_119] : memref<10000x128xf32, #tpu.memory_space<vmem_shared>> -> memref<10000x128xf32, #tpu.memory_space<vmem_shared>>
    tpu.enqueue_indirect_dma source(%arg9 : memref<80x128xf32, #tpu.memory_space<vmem>>) target(%dma_start3A_120 : memref<10000x128xf32, #tpu.memory_space<vmem_shared>>) offsets(%dma_start3A_117 : memref<80xi32, #tpu.memory_space<vmem>>) semaphore(%arg16 : memref<!tpu.dma_semaphore, #tpu.memory_space<semaphore_mem>>) {add = true}
    %dma_wait3A_121 = arith.constant 4800 : i32
    %dma_wait3A_122 = tpu.memref_slice %arg7[%dma_wait3A_121] : memref<5040xi32, #tpu.memory_space<vmem>> -> memref<80xi32, #tpu.memory_space<vmem>>
    %dma_wait3A_123 = arith.constant 0 : i32
    %dma_wait3A_124 = arith.constant 0 : i32
    %dma_wait3A_125 = tpu.memref_slice %arg11[%dma_wait3A_123, %dma_wait3A_124] : memref<10000x128xf32, #tpu.memory_space<vmem_shared>> -> memref<10000x128xf32, #tpu.memory_space<vmem_shared>>
    tpu.wait_indirect_dma semaphore(%arg15 : memref<!tpu.dma_semaphore, #tpu.memory_space<semaphore_mem>>) src(%arg8 : memref<80x128xf32, #tpu.memory_space<vmem>>) dst(%dma_wait3A_125 : memref<10000x128xf32, #tpu.memory_space<vmem_shared>>)
    %dma_wait3A_126 = arith.constant 4880 : i32
    %dma_wait3A_127 = tpu.memref_slice %arg7[%dma_wait3A_126] : memref<5040xi32, #tpu.memory_space<vmem>> -> memref<80xi32, #tpu.memory_space<vmem>>
    %dma_wait3A_128 = arith.constant 0 : i32
    %dma_wait3A_129 = arith.constant 0 : i32
    %dma_wait3A_130 = tpu.memref_slice %arg11[%dma_wait3A_128, %dma_wait3A_129] : memref<10000x128xf32, #tpu.memory_space<vmem_shared>> -> memref<10000x128xf32, #tpu.memory_space<vmem_shared>>
    tpu.wait_indirect_dma semaphore(%arg16 : memref<!tpu.dma_semaphore, #tpu.memory_space<semaphore_mem>>) src(%arg9 : memref<80x128xf32, #tpu.memory_space<vmem>>) dst(%dma_wait3A_130 : memref<10000x128xf32, #tpu.memory_space<vmem_shared>>)
    %barrier3A_131 = arith.constant 0 : index
    tpu.barrier barrier_id(%barrier3A_131)
    %lt3A_132 = arith.constant 10 : i32
    %lt3A_133 = arith.cmpi slt, %arg1, %lt3A_132 : i32
    %convert_element_type3A_134 = arith.extui %lt3A_133 : i1 to i32
    %cond3A_135 = arith.constant 0 : i32
    %cond3A_136 = arith.cmpi ne, %convert_element_type3A_134, %cond3A_135 : i32
    scf.if %cond3A_136 {
      %mul3A_137 = arith.constant 1000 : i32
      %mul3A_138 = arith.muli %arg1, %mul3A_137 : i32
      %multiple_of3A = tpu.assume_multiple %mul3A_138, 8 : i32
      "tpu.region"() ({
        %run_scoped3A = tpu.sem_alloc : memref<!tpu.dma_semaphore, #tpu.memory_space<semaphore_mem>>
        %dma_start3A_139 = arith.constant 0 : i32
        %dma_start3A_140 = tpu.memref_slice %arg5[%arg0, %multiple_of3A, %dma_start3A_139] : memref<2x10000x128xf32, #tpu.memory_space<hbm>> -> memref<1x1000x128xf32, #tpu.memory_space<hbm>>
        %dma_start3A_141 = tpu.memref_squeeze %dma_start3A_140 : memref<1x1000x128xf32, #tpu.memory_space<hbm>> -> memref<1000x128xf32, #tpu.memory_space<hbm>>
        %dma_start3A_142 = arith.constant 0 : i32
        %dma_start3A_143 = tpu.memref_slice %arg11[%multiple_of3A, %dma_start3A_142] : memref<10000x128xf32, #tpu.memory_space<vmem_shared>> -> memref<1000x128xf32, #tpu.memory_space<vmem_shared>>
        tpu.enqueue_dma source(%dma_start3A_143 : memref<1000x128xf32, #tpu.memory_space<vmem_shared>>) target(%dma_start3A_141 : memref<1000x128xf32, #tpu.memory_space<hbm>>) target_semaphore(%run_scoped3A : memref<!tpu.dma_semaphore, #tpu.memory_space<semaphore_mem>>)
        %dma_wait3A_144 = arith.constant 0 : i32
        %dma_wait3A_145 = tpu.memref_slice %arg5[%arg0, %multiple_of3A, %dma_wait3A_144] : memref<2x10000x128xf32, #tpu.memory_space<hbm>> -> memref<1x1000x128xf32, #tpu.memory_space<hbm>>
        %dma_wait3A_146 = tpu.memref_squeeze %dma_wait3A_145 : memref<1x1000x128xf32, #tpu.memory_space<hbm>> -> memref<1000x128xf32, #tpu.memory_space<hbm>>
        %dma_wait3A_147 = arith.constant 0 : i32
        %dma_wait3A_148 = tpu.memref_slice %arg11[%multiple_of3A, %dma_wait3A_147] : memref<10000x128xf32, #tpu.memory_space<vmem_shared>> -> memref<1000x128xf32, #tpu.memory_space<vmem_shared>>
        tpu.wait_dma2 semaphore(%run_scoped3A : memref<!tpu.dma_semaphore, #tpu.memory_space<semaphore_mem>>) src(%dma_wait3A_148 : memref<1000x128xf32, #tpu.memory_space<vmem_shared>>) dst(%dma_wait3A_146 : memref<1000x128xf32, #tpu.memory_space<hbm>>)
        tpu.yield
      }) : () -> ()
    } else {
    }
    return
  }
}

module attributes {stable_mosaic.version = 14 : i64} {
  func.func @_tc_pre_body(%arg0: i32, %arg1: memref<1024x128xf32, #tpu.memory_space<vmem>>, %arg2: memref<128x128xf32, #tpu.memory_space<vmem>>, %arg3: memref<2x2x1x1x1024xf32, #tpu.memory_space<vmem>>, %arg4: memref<1024x128xf32, #tpu.memory_space<vmem>>) attributes {dimension_semantics = [#tpu.dimension_semantics<arbitrary>], iteration_bounds = array<i64: 10>, scalar_prefetch = 0 : i64, scratch_operands = 0 : i64, tpu.core_type = #tpu.core_type<tc>, window_params = [{transform_indices = @transform_0, window_bounds = array<i64: 1024, 128>}, {pipeline_mode = #tpu.pipeline_mode<synchronous>, transform_indices = @transform_1, window_bounds = array<i64: 128, 128>}, {transform_indices = @transform_2, window_bounds = array<i64: 2, 2, 1, 1, 1024>}, {transform_indices = @transform_3, window_bounds = array<i64: 1024, 128>}]} {
    %get3A = arith.constant 0 : index
    %get3A_0 = arith.constant 0 : index
    %get3A_1 = arith.constant 0 : index
    %get3A_2 = arith.constant 0 : index
    %get3A_3 = arith.constant 0 : index
    %get3A_4 = vector.load %arg3[%get3A, %get3A_0, %get3A_1, %get3A_2, %get3A_3] : memref<2x2x1x1x1024xf32, #tpu.memory_space<vmem>>, vector<2x2x1x1x1024xf32>
    %slice3A = vector.extract_strided_slice %get3A_4 {offsets = [0, 0, 0, 0, 0], sizes = [1, 1, 1, 1, 1024], strides = [1, 1, 1, 1, 1]} : vector<2x2x1x1x1024xf32> to vector<1x1x1x1x1024xf32>
    %squeeze3A = vector.shape_cast %slice3A : vector<1x1x1x1x1024xf32> to vector<1024xf32>
    %slice3A_5 = vector.extract_strided_slice %get3A_4 {offsets = [1, 0, 0, 0, 0], sizes = [1, 1, 1, 1, 1024], strides = [1, 1, 1, 1, 1]} : vector<2x2x1x1x1024xf32> to vector<1x1x1x1x1024xf32>
    %squeeze3A_6 = vector.shape_cast %slice3A_5 : vector<1x1x1x1x1024xf32> to vector<1024xf32>
    %add3A = arith.addf %squeeze3A, %squeeze3A_6 : vector<1024xf32>
    %max3A = arith.constant 1.000000e+00 : f32
    %max3A_7 = vector.broadcast %max3A : f32 to vector<1024xf32>
    %max3A_8 = arith.maximumf %add3A, %max3A_7 : vector<1024xf32>
    %rsqrt3A = math.rsqrt %max3A_8 : vector<1024xf32>
    %get3A_9 = arith.constant 0 : index
    %get3A_10 = arith.constant 0 : index
    %get3A_11 = vector.load %arg1[%get3A_9, %get3A_10] : memref<1024x128xf32, #tpu.memory_space<vmem>>, vector<1024x128xf32>
    %convert_element_type3A = arith.truncf %get3A_11 : vector<1024x128xf32> to vector<1024x128xbf16>
    %get3A_12 = arith.constant 0 : index
    %get3A_13 = arith.constant 0 : index
    %get3A_14 = vector.load %arg2[%get3A_12, %get3A_13] : memref<128x128xf32, #tpu.memory_space<vmem>>, vector<128x128xf32>
    %convert_element_type3A_15 = arith.truncf %get3A_14 : vector<128x128xf32> to vector<128x128xbf16>
    %dot_general3A = arith.constant dense<0.000000e+00> : vector<1024x128xf32>
    %dot_general3A_16 = tpu.matmul %convert_element_type3A, %convert_element_type3A_15, %dot_general3A {dimension_numbers = #tpu.dot_dimension_numbers<[1], [0], [0], [1], [0, 0, 1, 1], [], []>, transpose_lhs_hint = false} : vector<1024x128xbf16>, vector<128x128xbf16>, vector<1024x128xf32> -> vector<1024x128xf32>
    %broadcast_in_dim3A = vector.shape_cast %rsqrt3A : vector<1024xf32> to vector<1024x1xf32>
    %mul3A = vector.broadcast %broadcast_in_dim3A : vector<1024x1xf32> to vector<1024x128xf32>
    %mul3A_17 = arith.mulf %dot_general3A_16, %mul3A : vector<1024x128xf32>
    %swap3A = arith.constant 0 : index
    %swap3A_18 = arith.constant 0 : index
    %swap3A_19 = vector.load %arg4[%swap3A, %swap3A_18] : memref<1024x128xf32, #tpu.memory_space<vmem>>, vector<1024x128xf32>
    tpu.vector_store %arg4[%swap3A, %swap3A_18], %mul3A_17 {strides = array<i32>} : memref<1024x128xf32, #tpu.memory_space<vmem>>, vector<1024x128xf32>,
    return
  }
  func.func @transform_0(%arg0: i32) -> (i32, i32) {
    %c0_i32 = arith.constant 0 : i32
    %c0_i32_0 = arith.constant 0 : i32
    return %arg0, %c0_i32 : i32, i32
  }
  func.func @transform_1(%arg0: i32) -> (i32, i32) {
    %c0_i32 = arith.constant 0 : i32
    %c0_i32_0 = arith.constant 0 : i32
    %c0_i32_1 = arith.constant 0 : i32
    return %c0_i32, %c0_i32_0 : i32, i32
  }
  func.func @transform_2(%arg0: i32) -> (i32, i32, i32, i32, i32) {
    %c0_i32 = arith.constant 0 : i32
    %c0_i32_0 = arith.constant 0 : i32
    %c0_i32_1 = arith.constant 0 : i32
    %c0_i32_2 = arith.constant 0 : i32
    %c0_i32_3 = arith.constant 0 : i32
    return %c0_i32, %c0_i32_0, %arg0, %c0_i32_1, %c0_i32_2 : i32, i32, i32, i32, i32
  }
  func.func @transform_3(%arg0: i32) -> (i32, i32) {
    %c0_i32 = arith.constant 0 : i32
    %c0_i32_0 = arith.constant 0 : i32
    return %arg0, %c0_i32 : i32, i32
  }
}

module attributes {stable_mosaic.version = 14 : i64} {
  func.func @_tc_post_body(%arg0: i32, %arg1: memref<2x1024x128xf32, #tpu.memory_space<vmem>>, %arg2: memref<2x2x1x1x1024xf32, #tpu.memory_space<vmem>>, %arg3: memref<1x128xf32, #tpu.memory_space<vmem>>, %arg4: memref<1024x128xf32, #tpu.memory_space<vmem>>) attributes {dimension_semantics = [#tpu.dimension_semantics<arbitrary>], iteration_bounds = array<i64: 10>, scalar_prefetch = 0 : i64, scratch_operands = 0 : i64, tpu.core_type = #tpu.core_type<tc>, window_params = [{transform_indices = @transform_0, window_bounds = array<i64: 2, 1024, 128>}, {transform_indices = @transform_1, window_bounds = array<i64: 2, 2, 1, 1, 1024>}, {pipeline_mode = #tpu.pipeline_mode<synchronous>, transform_indices = @transform_2, window_bounds = array<i64: 1, 128>}, {transform_indices = @transform_3, window_bounds = array<i64: 1024, 128>}]} {
    %get3A = arith.constant 0 : index
    %get3A_0 = arith.constant 0 : index
    %get3A_1 = arith.constant 0 : index
    %get3A_2 = vector.load %arg1[%get3A, %get3A_0, %get3A_1] : memref<2x1024x128xf32, #tpu.memory_space<vmem>>, vector<2x1024x128xf32>
    %get3A_3 = arith.constant 0 : index
    %get3A_4 = arith.constant 0 : index
    %get3A_5 = arith.constant 0 : index
    %get3A_6 = arith.constant 0 : index
    %get3A_7 = arith.constant 0 : index
    %get3A_8 = vector.load %arg2[%get3A_3, %get3A_4, %get3A_5, %get3A_6, %get3A_7] : memref<2x2x1x1x1024xf32, #tpu.memory_space<vmem>>, vector<2x2x1x1x1024xf32>
    %slice3A = vector.extract_strided_slice %get3A_8 {offsets = [0, 1, 0, 0, 0], sizes = [1, 1, 1, 1, 1024], strides = [1, 1, 1, 1, 1]} : vector<2x2x1x1x1024xf32> to vector<1x1x1x1x1024xf32>
    %squeeze3A = vector.shape_cast %slice3A : vector<1x1x1x1x1024xf32> to vector<1024xf32>
    %slice3A_9 = vector.extract_strided_slice %get3A_8 {offsets = [1, 1, 0, 0, 0], sizes = [1, 1, 1, 1, 1024], strides = [1, 1, 1, 1, 1]} : vector<2x2x1x1x1024xf32> to vector<1x1x1x1x1024xf32>
    %squeeze3A_10 = vector.shape_cast %slice3A_9 : vector<1x1x1x1x1024xf32> to vector<1024xf32>
    %add3A = arith.addf %squeeze3A, %squeeze3A_10 : vector<1024xf32>
    %max3A = arith.constant 1.000000e+00 : f32
    %max3A_11 = vector.broadcast %max3A : f32 to vector<1024xf32>
    %max3A_12 = arith.maximumf %add3A, %max3A_11 : vector<1024xf32>
    %rsqrt3A = math.rsqrt %max3A_12 : vector<1024xf32>
    %slice3A_13 = vector.extract_strided_slice %get3A_2 {offsets = [0, 0, 0], sizes = [1, 1024, 128], strides = [1, 1, 1]} : vector<2x1024x128xf32> to vector<1x1024x128xf32>
    %squeeze3A_14 = vector.shape_cast %slice3A_13 : vector<1x1024x128xf32> to vector<1024x128xf32>
    %slice3A_15 = vector.extract_strided_slice %get3A_2 {offsets = [1, 0, 0], sizes = [1, 1024, 128], strides = [1, 1, 1]} : vector<2x1024x128xf32> to vector<1x1024x128xf32>
    %squeeze3A_16 = vector.shape_cast %slice3A_15 : vector<1x1024x128xf32> to vector<1024x128xf32>
    %add3A_17 = arith.addf %squeeze3A_14, %squeeze3A_16 : vector<1024x128xf32>
    %broadcast_in_dim3A = vector.shape_cast %rsqrt3A : vector<1024xf32> to vector<1024x1xf32>
    %mul3A = vector.broadcast %broadcast_in_dim3A : vector<1024x1xf32> to vector<1024x128xf32>
    %mul3A_18 = arith.mulf %add3A_17, %mul3A : vector<1024x128xf32>
    %get3A_19 = arith.constant 0 : index
    %get3A_20 = arith.constant 0 : index
    %get3A_21 = vector.load %arg3[%get3A_19, %get3A_20] : memref<1x128xf32, #tpu.memory_space<vmem>>, vector<1x128xf32>
    %add3A_22 = vector.broadcast %get3A_21 : vector<1x128xf32> to vector<1024x128xf32>
    %add3A_23 = arith.addf %mul3A_18, %add3A_22 : vector<1024x128xf32>
    %max3A_24 = arith.constant 0.000000e+00 : f32
    %max3A_25 = vector.broadcast %max3A_24 : f32 to vector<1024x128xf32>
    %max3A_26 = arith.maximumf %add3A_23, %max3A_25 : vector<1024x128xf32>
    %swap3A = arith.constant 0 : index
    %swap3A_27 = arith.constant 0 : index
    %swap3A_28 = vector.load %arg4[%swap3A, %swap3A_27] : memref<1024x128xf32, #tpu.memory_space<vmem>>, vector<1024x128xf32>
    tpu.vector_store %arg4[%swap3A, %swap3A_27], %max3A_26 {strides = array<i32>} : memref<1024x128xf32, #tpu.memory_space<vmem>>, vector<1024x128xf32>,
    return
  }
  func.func @transform_0(%arg0: i32) -> (i32, i32, i32) {
    %c0_i32 = arith.constant 0 : i32
    %c0_i32_0 = arith.constant 0 : i32
    %c0_i32_1 = arith.constant 0 : i32
    return %c0_i32, %arg0, %c0_i32_0 : i32, i32, i32
  }
  func.func @transform_1(%arg0: i32) -> (i32, i32, i32, i32, i32) {
    %c0_i32 = arith.constant 0 : i32
    %c0_i32_0 = arith.constant 0 : i32
    %c0_i32_1 = arith.constant 0 : i32
    %c0_i32_2 = arith.constant 0 : i32
    %c0_i32_3 = arith.constant 0 : i32
    return %c0_i32, %c0_i32_0, %arg0, %c0_i32_1, %c0_i32_2 : i32, i32, i32, i32, i32
  }
  func.func @transform_2(%arg0: i32) -> (i32, i32) {
    %c0_i32 = arith.constant 0 : i32
    %c0_i32_0 = arith.constant 0 : i32
    %c0_i32_1 = arith.constant 0 : i32
    return %c0_i32, %c0_i32_0 : i32, i32
  }
  func.func @transform_3(%arg0: i32) -> (i32, i32) {
    %c0_i32 = arith.constant 0 : i32
    %c0_i32_0 = arith.constant 0 : i32
    return %arg0, %c0_i32 : i32, i32
  }
}

</mosaic_0001>

<sc_bundles>
// kernel: kernel.6.cloned.1.call-start
scs
__scs_entry_jumppad:
0x0: {  	(pc) =	sbr.rel $0x88, $3  }
0x1: {  	(tag) =	ssettag $0x0;
	lr =	simm.s32 $0x1  }
0x2: {  	[smem:$0x3F9D] =	sst lr;
	_ =	strace $0xD0000000  }
0x3: {  	_ = 	snop  }
0x4: {  	_ = 	snop  }
0x5: {  	_ = 	snop  }
0x6: {  	_ = 	snop  }
0x7: {  	_ = 	snop  }
__scs_overlays_trampoline_lowered:
0x8: {  	[smem:$0x3FAC] =	sst s0  }
0x9: {  	[smem:$0x3FAD] =	sst s1  }
0xa: {  	[smem:$0x3FAE] =	sst s2  }
0xb: {  	[smem:$0x3FAF] =	sst s3  }
0xc: {  	[smem:$0x3FB0] =	sst s4  }
0xd: {  	[smem:$0x3FB1] =	sst s5  }
0xe: {  	[smem:$0x3FB2] =	sst s6  }
0xf: {  	[smem:$0x3FB3] =	sst s7  }
0x10: {  	[smem:$0x3FB4] =	sst s8  }
0x11: {  	[smem:$0x3FB5] =	sst s9;
	s0 =	simm.s32 @!p0 $0x0  }
0x12: {  	s1 =	sld [smem:$0x3F9B];
	s0 =	simm.s32 @p0 $0x1  }
0x13: {  	[smem:$0x3FB6] =	sst s0;
	s0 =	simm.s32 @!p1 $0x0  }
0x14: {  	s2 =	sld [smem:$0x3F9A];
	s0 =	simm.s32 @p1 $0x1  }
0x15: {  	[smem:$0x3FB7] =	sst s0;
	s0 =	simm.s32 @!p2 $0x0  }
0x16: {  	s3 =	sld [smem:$0x3FDB];
	s0 =	simm.s32 @p2 $0x1  }
0x17: {  	s4 =	simm.s32 $0x1BF5;
	[smem:$0x3FB9] =	sst s0  }
0x18: {  	s0 =	sld [smem:$0x3F9C];
	_ =	swait.ge [sflag:s4], $0x0  }
0x19: {  	s7 =	sld [smem:$0x3F9D]  }
0x1a: {  	s8 =	sadd.s32 $0xFFFFE003, lr  }
0x1b: {  	s9 =	sadd.s32 $0xFFFFFEF7, lr;
	s5 =	simm.s32 $0xFFFFFFFF;
	p2 =	slt.u32 s8, $0xFFFFF086  }
0x1c: {  	p1 =	slt.u32 s9, $0xF7A;
	s5 =	simm.s32 @!p2 $0x0  }
0x1d: {  	s5 =	simm.s32 @p1 $0x1;
	p0 =	seq.s32 s7, s2  }
0x1e: {  	s7 =	smul.u32 @!p0 $0xF7A, s2;
	p2 =	seq.s32 @!p0 s5, $0x0  }
0x1f: {  	s9 =	smul.u32 $0xF7A, s1;
	s8 =	simm.s32 @!p0 $0x1BF5;
	p2 =	por !p2, p0  }
0x20: {  	[sflag:s8] =	ssyncset.s32 @!p0 $0xFFFFF086;
	s6 =	sadd.s32 @!p0 s3, s7;
	s7 =	simm.s32 @!p0 $0x108  }
0x21: {  	s3 =	sadd.s32 s3, s9;
	s6 =	sadd.s32 @!p0 $0x88, s6;
	s7 =	simm.s32 @p2 $0x1082  }
0x22: {  	[simem:s7], [sflag:s8] =	dma.local @!p0 [hbm:s6], $0xF7A  }
0x23: {  	s9 =	sor.u32 $0xD0000000, s2;
	s6 =	simm.s32 $0x108;
	_ =	swait.ge @!p0 [sflag:s8], $0x0  }
0x24: {  	s3 =	sadd.s32 $0x88, s3;
	s6 =	simm.s32 @!p1 $0x1082;
	[sflag:s4] =	ssyncset.s32 $0xFFFFF086  }
0x25: {  	[simem:s6], [sflag:s4] =	dma.local [hbm:s3], $0xF7A  }
0x26: {  	[smem:$0x3F9D] =	sst s1;
	(tag) =	ssettag s2;
	_ =	strace s9  }
0x27: {  	s1 =	sld [smem:$0x3FAD]  }
0x28: {  	s2 =	sld [smem:$0x3FAE]  }
0x29: {  	s4 =	sld [smem:$0x3FB0]  }
0x2a: {  	p0 =	seq.s32 s5, $0x0;
	s5 =	sld [smem:$0x3FB1]  }
0x2b: {  	s6 =	sld [smem:$0x3FB2]  }
0x2c: {  	s7 =	sld [smem:$0x3FB3]  }
0x2d: {  	s3 =	simm.s32 $0x108;
	s8 =	sld [smem:$0x3FB4]  }
0x2e: {  	s3 =	simm.s32 @!p0 $0x1082;
	s9 =	sld [smem:$0x3FB5]  }
0x2f: {  	lr =	sadd.s32 s0, s3;
	s0 =	sld [smem:$0x3FAC]  }
0x30: {  	s3 =	sld [smem:$0x3FAF]  }
0x31: {  	[smem:$0x3FB8] =	sst s10  }
0x32: {  	s10 =	sld [smem:$0x3FB6];
	_ =	sdelay $0x3  }
0x33: {  	p0 =	seq.s32 s10, $0x1;
	s10 =	sld [smem:$0x3FB8];
	_ =	sdelay $0x3  }
0x34: {  	[smem:$0x3FB8] =	sst s10  }
0x35: {  	s10 =	sld [smem:$0x3FB7];
	_ =	sdelay $0x3  }
0x36: {  	p1 =	seq.s32 s10, $0x1;
	s10 =	sld [smem:$0x3FB8];
	_ =	sdelay $0x3  }
0x37: {  	[smem:$0x3FB8] =	sst s10  }
0x38: {  	s10 =	sld [smem:$0x3FB9]  }
0x39: {  	_ = 	snop;
	(pc) =	sbr.ind lr, $3  }
0x3a: {  	_ = 	snop  }
0x3b: {  	_ = 	snop  }
0x3c: {  	p2 =	seq.s32 s10, $0x1;
	s10 =	sld [smem:$0x3FB8]  }
0x3d: {  	_ =	shalt  }
0x3e: {  	_ =	shalt  }
0x3f: {  	_ =	shalt  }
0x40: {  	_ =	shalt  }
0x41: {  	_ =	shalt  }
0x42: {  	_ =	shalt  }
0x43: {  	_ =	shalt  }
0x44: {  	_ =	shalt  }
0x45: {  	_ =	shalt  }
0x46: {  	_ =	shalt  }
0x47: {  	_ =	shalt  }
0x48: {  	_ =	shalt  }
0x49: {  	_ =	shalt  }
0x4a: {  	_ =	shalt  }
0x4b: {  	_ =	shalt  }
0x4c: {  	_ =	shalt  }
0x4d: {  	_ =	shalt  }
0x4e: {  	_ =	shalt  }
0x4f: {  	_ =	shalt  }
0x50: {  	_ =	shalt  }
0x51: {  	_ =	shalt  }
0x52: {  	_ =	shalt  }
0x53: {  	_ =	shalt  }
0x54: {  	_ =	shalt  }
0x55: {  	_ =	shalt  }
0x56: {  	_ =	shalt  }
0x57: {  	_ =	shalt  }
0x58: {  	_ =	shalt  }
0x59: {  	_ =	shalt  }
0x5a: {  	_ =	shalt  }
0x5b: {  	_ =	shalt  }
0x5c: {  	_ =	shalt  }
0x5d: {  	_ =	shalt  }
0x5e: {  	_ =	shalt  }
0x5f: {  	_ =	shalt  }
0x60: {  	_ =	shalt  }
0x61: {  	_ =	shalt  }
0x62: {  	_ =	shalt  }
0x63: {  	_ =	shalt  }
0x64: {  	_ =	shalt  }
0x65: {  	_ =	shalt  }
0x66: {  	_ =	shalt  }
0x67: {  	_ =	shalt  }
0x68: {  	_ =	shalt  }
0x69: {  	_ =	shalt  }
0x6a: {  	_ =	shalt  }
0x6b: {  	_ =	shalt  }
0x6c: {  	_ =	shalt  }
0x6d: {  	_ =	shalt  }
0x6e: {  	_ =	shalt  }
0x6f: {  	_ =	shalt  }
0x70: {  	_ =	shalt  }
0x71: {  	_ =	shalt  }
0x72: {  	_ =	shalt  }
0x73: {  	_ =	shalt  }
0x74: {  	_ =	shalt  }
0x75: {  	_ =	shalt  }
0x76: {  	_ =	shalt  }
0x77: {  	_ =	shalt  }
0x78: {  	_ =	shalt  }
0x79: {  	_ =	shalt  }
0x7a: {  	_ =	shalt  }
0x7b: {  	_ =	shalt  }
0x7c: {  	_ =	shalt  }
0x7d: {  	_ =	shalt  }
0x7e: {  	_ =	shalt  }
0x7f: {  	_ =	shalt  }
0x80: {  	_ =	shalt  }
0x81: {  	_ =	shalt  }
0x82: {  	_ =	shalt  }
0x83: {  	_ =	shalt  }
0x84: {  	_ =	shalt  }
0x85: {  	_ =	shalt  }
0x86: {  	_ =	shalt  }
0x87: {  	_ =	shalt  }
.Lfunc_end0:
.L_simem_size_0:
called_computation_lowered:
.L_overlay_start_0:
0x88: {  	s2 =	sld [smem:$0x3FD9]  }
0x89: {  	s3 =	sld [smem:$0x3FFE];
	_ =	sdelay $0x1  }
0x8a: {  	s1 =	srdreg.scid  }
0x8b: {  	s0 =	sand.u32 $0x1, s1  }
0x8c: {  	s17 =	sshll.u32 s0, $0xA;
	s2 =	sadd.s32 s3, s2  }
0x8d: {  	s2 =	sadd.s32 s2, s17  }
0x8e: {  	[smem:$0x3FC4] =	sst s2  }
0x8f: {  	_ = 	snop  }
0x90: {  	s2 =	sld [smem:$0x3FD0];
	(tm) =	ssettm $0x1  }
0x91: {  	s18 =	sld [smem:$0x3FFB];
	_ =	sdelay $0x3  }
0x92: {  	_ =	strace s18  }
0x93: {  	s3 =	sld [smem:$0x3FFC];
	_ =	sdelay $0x3  }
0x94: {  	_ =	strace s3  }
0x95: {  	s3 =	sld [smem:$0x3FFD];
	_ =	sdelay $0x3  }
0x96: {  	_ =	strace s3  }
0x97: {  	_ =	strace $0x8FFFFFFF  }
0x98: {  	s19 =	sld [smem:$0x3FDB];
	_ =	sdelay $0x1  }
0x99: {  	s4 =	simm.s32 $_scs_section_size  }
0x9a: {  	s5 =	simm.s32 $_size__tile_overlayer_lowered;
	s6 =	simm.s32 $_tile_overlayer_lowered  }
0x9b: {  	s22 =	simm.s32 $0x1BFF;
	s21 =	sshll.u32 s6, $0x1;
	s3 =	sadd.s32 s4, s19  }
0x9c: {  	s7 =	simm.s32 $0x0;
	s20 =	sshll.u32 s5, $0x1;
	s5 =	sadd.s32 s21, s3  }
0x9d: {  	[timem:s7], [sflag:s22] =	dma.local [hbm:s5], s20  }
0x9e: {  	_ =	swait.ge [sflag:s22], s20  }
0x9f: {  	s4 =	ssub.s32 $0x0, s20;
	[sflag:s22] =	ssyncset.done $0x0  }
0xa0: {  	[sflag:s22] =	ssyncadd.s32 s4;
	_ =	sdelay $0x1  }
0xa1: {  	s23 =	simm.s32 $0x1B8B  }
0xa2: {  	_ =	swait.ge [sflag:s23], $0x1  }
0xa3: {  	[sflag:s23] =	ssyncset.done $0x0  }
0xa4: {  	s25 =	simm.s32 $0x1B8E;
	s24 =	sld [smem:$0x3FFE];
	[sflag:s23] =	ssyncadd.s32 $0xFFFFFFFF  }
0xa5: {  	s26 =	simm.s32 $execute0_lowered;
	[smem:$0x3FD2] =	sst s25  }
0xa6: {  	s5 =	sshll.u32 s26, $0x1;
	_ =	strace $0x80000046;
	[dreg:$0x1] =	wrdreg $0xFFFFFFFF  }
0xa7: {  	s28 =	simm.s32 $_size_execute0_lowered;
	s3 =	sadd.s32 s3, s5;
	[dreg:$0x0] =	wrdreg $0x0  }
0xa8: {  	s5 =	sshll.u32 s28, $0x1;
	[dreg:$0x2] =	wrdreg s3  }
0xa9: {  	[dreg:$0x3] =	wrdreg s5  }
0xaa: {  	[dreg:$0x4] =	wrdreg $0xC0  }
0xab: {  	_ =	task [dreg:s7], $0x5FFFF  }
0xac: {  	[dreg:$0x1] =	wrdreg $0xFFFFFFFF  }
0xad: {  	[dreg:$0x0] =	wrdreg $0x60  }
0xae: {  	[dreg:$0x2] =	wrdreg s24  }
0xaf: {  	[dreg:$0x3] =	wrdreg s2  }
0xb0: {  	[dreg:$0x4] =	wrdreg $0x4F800  }
0xb1: {  	[dreg:$0x5] =	wrdreg $0x52000  }
0xb2: {  	[dreg:$0x6] =	wrdreg $0x9  }
0xb3: {  	_ =	task.clear_ibuf [dreg:s7], $0x7FFFF;
	_ =	strace $0x90000046  }
0xb4: {  	s29 =	simm.s32 $0x9;
	_ =	strace $0x80000048  }
0xb5: {  	_ =	swait.ge [sflag:s29], $0x1  }
0xb6: {  	[sflag:s29] =	ssyncadd.s32 $0xFFFFFFFF  }
0xb7: {  	_ =	strace $0x90000048  }
0xb8: {  	_ =	sfence  }
0xb9: {  	s30 =	sld [smem:$0x0];
	_ =	sdelay $0x2  }
0xba: {  	s31 =	sshll.u32 s1, $0xD;
	s1 =	sshrl.u32 s1, $0x2  }
0xbb: {  	s3 =	sand.u32 $0x4000, s31;
	s1 =	sadd.s32 s1, s30  }
0xbc: {  	s0 =	sor.u32 s3, s0;
	s1 =	sshll.u32 s1, $0x11  }
0xbd: {  	s0 =	sor.u32 s1, s0  }
0xbe: {  	s0 =	sadd.s32 $0x8F2B, s0  }
0xbf: {  	[sflag:s0] =	ssyncadd.remote.s32 $0x1  }
0xc0: {  	_ =	sfence.sel $0xFFFF  }
0xc1: {  	[dreg:$0x0] =	wrdreg $0xFFFFFFFF;
	(pc) =	sbr.abs _section_cstart, $3  }
0xc2: {  	[dreg:$0x1] =	wrdreg $0xFFFFFFFF  }
0xc3: {  	_ =	task.clear_ibuf [dreg:s7], $0x2FFFF;
	_ =	strace $0x9FFFFFFF  }
0xc4: {  	(tm) =	ssettm $0x7FFFFFFF  }
0xc5: {  	_ =	shalt  }
tec
execute0_lowered:
.L_overlay_start_1:
0x0: {  	(tag) =	ssettag $0x1  }
0x1: {  	s5 =	rddreg [dreg:$0x0]  }
0x2: {  	s9 =	rddreg [dreg:$0x1]  }
0x3: {  	s2 =	rddreg [dreg:$0x2]  }
0x4: {  	s0 =	srdreg.scid;
	s3 =	rddreg [dreg:$0x3];
	s4 =	simm.s32 $0x0  }
0x5: {  	s14 =	simm.s32 $0x3;
	s18 =	simm.s32 $0x1;
	s19 =	simm.s32 $0x2  }
0x6: {  	s20 =	simm.s32 $0x50;
	s6 =	sand.u32 $0x1, s0;
	s0 =	stileid.u32  }
0x7: {  	s21 =	simm.s32 $0x20;
	s22 =	simm.s32 $0x10;
	s10 =	smul.u32 $0x280, s0  }
0x8: {  	s23 =	simm.s32 $0x0;
	[smem:$0x7FF] =	sst s4;
	s8 =	smul.u32 $0x5000, s6  }
0x9: {  	s1 =	sshll.u32 s6, $0x4;
	s6 =	ssub.s32 $0x2, s6;
	s12 =	smul.u32 $0x500, s0  }
0xa: {  	s15 =	sshll.u32 s0, $0x6;
	s1 =	sor.u32 s0, s1;
	s13 =	sshrl.u32 s6, $0x1  }
0xb: {  	s15 =	sor.u32 $0x1C03, s15;
	s7 =	smul.u32 $0x2710, s1;
	s1 =	rddreg [dreg:$0x4]  }
0xc: {  	_ =	strace $0x80000047;
	s11 =	sshrl.u32 s10, $0x3;
	s13 =	ssub.s32 s6, s13  }
0xd: {  	s8 =	sadd.s32 s12, s8;
	s16 =	sadd.s32 s10, s2;
	s17 =	sadd.s32 s10, s3  }
0xe: {  	s11 =	sadd.s32 s11, s5;
	s12 =	sshrl.u32 s8, $0x3;
	s16 =	sshrl.u32 s16, $0x3  }
0xf: {  	s17 =	sshrl.u32 s17, $0x3;
	s7 =	sshrl.u32 s7, $0x3;
	s8 =	sadd.s32 $0x15400, s11  }
0x10: {  	s9 =	sadd.s32 s9, s12;
	s11 =	smax.u32 s13, $0x1;
	s12 =	simm.s32 $0x2780  }
0x11: {  	s13 =	simm.s32 $0x4F00;
	s7 =	sadd.s32 s7, s5;
	s5 =	sadd.s32 $0x15200, s5  }
0x12: {  	s10 =	sadd.s32 $0x10, s9;
	s6 =	sadd.s32 $0x1800, s7;
	s7 =	sadd.s32 $0xB440, s7  }
.LBB2_1:
0x13: {  	[tilespmem:s4], [sflag:$0x1] =	stream.linear.gather [hbm4b:s6+s4], $0x2710, $0x38;
	[tilespmem:$0x5480] =	vst v63  }
0x14: {  	_ = 	snop  }
0x15: {  	[tilespmem:s12], [sflag:$0x2] =	stream.linear.gather [hbm4b:s7+s4], $0x2710, $0x38;
	[tilespmem:$0x5480] =	vst v63  }
0x16: {  	_ = 	snop  }
0x17: {  	[tilespmem:s13], [sflag:$0x3] =	stream.linear.gather [hbm4b:s5+s4], $0x80, $0x38;
	[tilespmem:$0x5480] =	vst v63  }
0x18: {  	_ =	swait.ge [sflag:s14], $0x80  }
0x19: {  	[sflag:s14] =	ssyncset.done $0x0  }
0x1a: {  	[sflag:s14] =	ssyncadd.s32 $0xFFFFFF80  }
0x1b: {  	[spmem:s16], [sflag:s15] =	dma.local [hbm:s8], $0x50  }
0x1c: {  	_ =	swait.ge [sflag:s14], $0x50  }
0x1d: {  	[sflag:s14] =	ssyncset.done $0x0  }
0x1e: {  	[sflag:s14] =	ssyncadd.s32 $0xFFFFFFB0  }
0x1f: {  	[spmem:s17], [sflag:s15] =	dma.local [hbm:s8], $0x50  }
0x20: {  	_ =	swait.ge [sflag:s14], $0x50  }
0x21: {  	[sflag:s14] =	ssyncset.done $0x0  }
0x22: {  	[sflag:s14] =	ssyncadd.s32 $0xFFFFFFB0  }
0x23: {  	_ =	swait.ge [sflag:s18], $0x2710  }
0x24: {  	[sflag:s18] =	ssyncset.done $0x0  }
0x25: {  	[sflag:s18] =	ssyncadd.s32 $0xFFFFD8F0  }
0x26: {  	_ =	swait.ge [sflag:s19], $0x2710  }
0x27: {  	[sflag:s19] =	ssyncset.done $0x0  }
0x28: {  	[sflag:s19] =	ssyncadd.s32 $0xFFFFD8F0  }
0x29: {  	[bflag:$0x0] =	sbarrier.arrive $0xFFFF  }
0x2a: {  	[spmem:s2] =	stream.indirect.scatter.add.f32 [tilespmem:s13], [sflag:$0x1], $0x1, s4, s20, $0xb8;
	[tilespmem:$0x5480] =	vst v63  }
0x2b: {  	_ = 	snop  }
0x2c: {  	[spmem:s3] =	stream.indirect.scatter.add.f32 [tilespmem:s13], [sflag:$0x2], $0x1, s12, s20, $0xb8;
	[tilespmem:$0x5480] =	vst v63  }
0x2d: {  	s24 =	simm.s32 $0x50  }
0x2e: {  	[spmem:s2] =	stream.indirect.scatter.add.f32 [tilespmem:s13], [sflag:$0x1], $0x1, s24, s20, $0xb8;
	[tilespmem:$0x5480] =	vst v63  }
0x2f: {  	s31 =	simm.s32 $0x27D0  }
0x30: {  	[spmem:s3] =	stream.indirect.scatter.add.f32 [tilespmem:s13], [sflag:$0x2], $0x1, s31, s20, $0xb8;
	[tilespmem:$0x5480] =	vst v63  }
0x31: {  	_ =	swait.ge [sflag:s18], $0x50  }
0x32: {  	[sflag:s18] =	ssyncset.done $0x0  }
0x33: {  	[sflag:s18] =	ssyncadd.s32 $0xFFFFFFB0  }
0x34: {  	_ =	swait.ge [sflag:s19], $0x50  }
0x35: {  	s25 =	simm.s32 $0x3C0;
	s24 =	simm.s32 $0x280;
	[sflag:s19] =	ssyncset.done $0x0  }
.LBB2_2:
0x36: {  	s26 =	sshra.s32 s24, $0x2  }
0x37: {  	[sflag:s19] =	ssyncadd.s32 $0xFFFFFFB0;
	s24 =	smov.u32 s25;
	s28 =	sadd.s32 $0x140, s25  }
0x38: {  	[spmem:s2] =	stream.indirect.scatter.add.f32 [tilespmem:s13], [sflag:$0x1], $0x1, s26, s20, $0xb8;
	[tilespmem:$0x5480] =	vst v63  }
0x39: {  	p0 =	sne.s32 s25, $0x9B00;
	s25 =	sadd.s32 $0x2780, s26  }
0x3a: {  	[spmem:s3] =	stream.indirect.scatter.add.f32 [tilespmem:s13], [sflag:$0x2], $0x1, s25, s20, $0xb8;
	[tilespmem:$0x5480] =	vst v63  }
.Ltmp0:
0x3b: {  	_ =	swait.ge [sflag:s18], $0x50;
	(pc) =	sbr.rel @p0 .LBB2_2-.Ltmp0, $4  }
0x3c: {  	[sflag:s18] =	ssyncset.done $0x0  }
0x3d: {  	[sflag:s18] =	ssyncadd.s32 $0xFFFFFFB0  }
0x3e: {  	_ =	swait.ge [sflag:s19], $0x50  }
0x3f: {  	s25 =	smov.u32 s28;
	[sflag:s19] =	ssyncset.done $0x0  }
0x40: {  	s24 =	sshra.s32 s24, $0x2;
	[sflag:s19] =	ssyncadd.s32 $0xFFFFFFB0  }
0x41: {  	[spmem:s2] =	stream.indirect.scatter.add.f32 [tilespmem:s13], [sflag:$0x1], $0x1, s24, s20, $0xb8;
	[tilespmem:$0x5480] =	vst v63  }
0x42: {  	s24 =	sadd.s32 $0x2780, s24  }
0x43: {  	[spmem:s3] =	stream.indirect.scatter.add.f32 [tilespmem:s13], [sflag:$0x2], $0x1, s24, s20, $0xb8;
	[tilespmem:$0x5480] =	vst v63  }
0x44: {  	_ =	swait.ge [sflag:s18], $0x50  }
0x45: {  	[sflag:s18] =	ssyncset.done $0x0  }
0x46: {  	[sflag:s18] =	ssyncadd.s32 $0xFFFFFFB0  }
0x47: {  	_ =	swait.ge [sflag:s19], $0x50  }
0x48: {  	[sflag:s19] =	ssyncset.done $0x0  }
0x49: {  	[sflag:s19] =	ssyncadd.s32 $0xFFFFFFB0  }
0x4a: {  	_ =	swait.ge [sflag:s18], $0x50  }
0x4b: {  	[sflag:s18] =	ssyncset.done $0x0  }
0x4c: {  	[sflag:s18] =	ssyncadd.s32 $0xFFFFFFB0  }
0x4d: {  	_ =	swait.ge [sflag:s19], $0x50  }
0x4e: {  	[sflag:s19] =	ssyncset.done $0x0  }
0x4f: {  	[sflag:s19] =	ssyncadd.s32 $0xFFFFFFB0  }
0x50: {  	[bflag:$0x0] =	sbarrier.arrive $0xFFFF  }
0x51: {  	[hbm:s9@s21], [sflag:s15] =	dma.strided [spmem:s16@s22], $0x50, s18, $0x10   }
0x52: {  	s23 =	sadd.s32 $0x1, s23;
	_ =	swait.ge [sflag:s14], $0x50  }
0x53: {  	p0 =	sne.s32 s23, s11;
	[sflag:s14] =	ssyncset.done $0x0  }
.Ltmp1:
0x54: {  	[sflag:s14] =	ssyncadd.s32 $0xFFFFFFB0;
	(pc) =	sbr.rel @p0 .LBB2_1-.Ltmp1, $4  }
0x55: {  	[hbm:s10@s21], [sflag:s15] =	dma.strided [spmem:s17@s22], $0x50, s18, $0x10   }
0x56: {  	_ =	swait.ge [sflag:s14], $0x50  }
0x57: {  	[sflag:s14] =	ssyncset.done $0x0  }
0x58: {  	[sflag:s14] =	ssyncadd.s32 $0xFFFFFFB0  }
0x59: {  	_ =	sfence.sel $0x180000  }
0x5a: {  	[bflag:$0x0] =	sbarrier.arrive $0xFFFF  }
0x5b: {  	p0 =	sne.s32 s0, $0x0;
	_ =	strace $0x90000047  }
0x5c: {  	s0 =	sadd.s32 @!p0 $0x100000, s1;
	[bflag:$0x2] =	sbarrier.arrive $0xFFFF  }
0x5d: {  	[sflag:s0] =	ssyncadd.tile.s32 @!p0 $0x1;
	_ =	shalt  }
.Lfunc_end2:
_tile_overlayer_lowered:
.L_overlay_start_2:
0x5e: {  	(tag) =	ssettag $0x2  }
0x5f: {  	s0 =	rddreg [dreg:$0x0];
	s2 =	stileid.u32  }
0x60: {  	s1 =	rddreg [dreg:$0x1];
	p0 =	sne.s32 s2, $0x0  }
0x61: {  	s3 =	rddreg [dreg:$0x2];
	[bflag:$0x3] =	sbarrier.arrive $0xFFFF;
	s2 =	simm.s32 @!p0 $0x1C03  }
0x62: {  	[timem:s3], [sflag:s2] =	dma.local @!p0 [hbm:s0], s1  }
0x63: {  	s0 =	simm.s32 @!p0 $0x3  }
0x64: {  	_ =	swait.ge @!p0 [sflag:s0], s1  }
0x65: {  	s1 =	ssub.s32 @!p0 $0x0, s1;
	[sflag:s0] =	ssyncset.done @!p0 $0x0  }
0x66: {  	[sflag:s0] =	ssyncadd.s32 @!p0 s1  }
0x67: {  	[bflag:$0x3] =	sbarrier.arrive $0xFFFF  }
0x68: {  	_ =	shalt  }

// kernel: kernel.9.cloned.1.call-start
scs
__scs_entry_jumppad:
0x0: {  	(pc) =	sbr.rel $0x88, $3  }
0x1: {  	(tag) =	ssettag $0x0;
	lr =	simm.s32 $0x1  }
0x2: {  	[smem:$0x3F9D] =	sst lr;
	_ =	strace $0xD0000000  }
0x3: {  	_ = 	snop  }
0x4: {  	_ = 	snop  }
0x5: {  	_ = 	snop  }
0x6: {  	_ = 	snop  }
0x7: {  	_ = 	snop  }
__scs_overlays_trampoline_lowered:
0x8: {  	[smem:$0x3FAC] =	sst s0  }
0x9: {  	[smem:$0x3FAD] =	sst s1  }
0xa: {  	[smem:$0x3FAE] =	sst s2  }
0xb: {  	[smem:$0x3FAF] =	sst s3  }
0xc: {  	[smem:$0x3FB0] =	sst s4  }
0xd: {  	[smem:$0x3FB1] =	sst s5  }
0xe: {  	[smem:$0x3FB2] =	sst s6  }
0xf: {  	[smem:$0x3FB3] =	sst s7  }
0x10: {  	[smem:$0x3FB4] =	sst s8  }
0x11: {  	[smem:$0x3FB5] =	sst s9;
	s0 =	simm.s32 @!p0 $0x0  }
0x12: {  	s1 =	sld [smem:$0x3F9B];
	s0 =	simm.s32 @p0 $0x1  }
0x13: {  	[smem:$0x3FB6] =	sst s0;
	s0 =	simm.s32 @!p1 $0x0  }
0x14: {  	s2 =	sld [smem:$0x3F9A];
	s0 =	simm.s32 @p1 $0x1  }
0x15: {  	[smem:$0x3FB7] =	sst s0;
	s0 =	simm.s32 @!p2 $0x0  }
0x16: {  	s3 =	sld [smem:$0x3FDB];
	s0 =	simm.s32 @p2 $0x1  }
0x17: {  	s4 =	simm.s32 $0x1BF5;
	[smem:$0x3FB9] =	sst s0  }
0x18: {  	s0 =	sld [smem:$0x3F9C];
	_ =	swait.ge [sflag:s4], $0x0  }
0x19: {  	s7 =	sld [smem:$0x3F9D]  }
0x1a: {  	s8 =	sadd.s32 $0xFFFFE003, lr  }
0x1b: {  	s9 =	sadd.s32 $0xFFFFFEF7, lr;
	s5 =	simm.s32 $0xFFFFFFFF;
	p2 =	slt.u32 s8, $0xFFFFF086  }
0x1c: {  	p1 =	slt.u32 s9, $0xF7A;
	s5 =	simm.s32 @!p2 $0x0  }
0x1d: {  	s5 =	simm.s32 @p1 $0x1;
	p0 =	seq.s32 s7, s2  }
0x1e: {  	s7 =	smul.u32 @!p0 $0xF7A, s2;
	p2 =	seq.s32 @!p0 s5, $0x0  }
0x1f: {  	s9 =	smul.u32 $0xF7A, s1;
	s8 =	simm.s32 @!p0 $0x1BF5;
	p2 =	por !p2, p0  }
0x20: {  	[sflag:s8] =	ssyncset.s32 @!p0 $0xFFFFF086;
	s6 =	sadd.s32 @!p0 s3, s7;
	s7 =	simm.s32 @!p0 $0x108  }
0x21: {  	s3 =	sadd.s32 s3, s9;
	s6 =	sadd.s32 @!p0 $0x88, s6;
	s7 =	simm.s32 @p2 $0x1082  }
0x22: {  	[simem:s7], [sflag:s8] =	dma.local @!p0 [hbm:s6], $0xF7A  }
0x23: {  	s9 =	sor.u32 $0xD0000000, s2;
	s6 =	simm.s32 $0x108;
	_ =	swait.ge @!p0 [sflag:s8], $0x0  }
0x24: {  	s3 =	sadd.s32 $0x88, s3;
	s6 =	simm.s32 @!p1 $0x1082;
	[sflag:s4] =	ssyncset.s32 $0xFFFFF086  }
0x25: {  	[simem:s6], [sflag:s4] =	dma.local [hbm:s3], $0xF7A  }
0x26: {  	[smem:$0x3F9D] =	sst s1;
	(tag) =	ssettag s2;
	_ =	strace s9  }
0x27: {  	s1 =	sld [smem:$0x3FAD]  }
0x28: {  	s2 =	sld [smem:$0x3FAE]  }
0x29: {  	s4 =	sld [smem:$0x3FB0]  }
0x2a: {  	p0 =	seq.s32 s5, $0x0;
	s5 =	sld [smem:$0x3FB1]  }
0x2b: {  	s6 =	sld [smem:$0x3FB2]  }
0x2c: {  	s7 =	sld [smem:$0x3FB3]  }
0x2d: {  	s3 =	simm.s32 $0x108;
	s8 =	sld [smem:$0x3FB4]  }
0x2e: {  	s3 =	simm.s32 @!p0 $0x1082;
	s9 =	sld [smem:$0x3FB5]  }
0x2f: {  	lr =	sadd.s32 s0, s3;
	s0 =	sld [smem:$0x3FAC]  }
0x30: {  	s3 =	sld [smem:$0x3FAF]  }
0x31: {  	[smem:$0x3FB8] =	sst s10  }
0x32: {  	s10 =	sld [smem:$0x3FB6];
	_ =	sdelay $0x3  }
0x33: {  	p0 =	seq.s32 s10, $0x1;
	s10 =	sld [smem:$0x3FB8];
	_ =	sdelay $0x3  }
0x34: {  	[smem:$0x3FB8] =	sst s10  }
0x35: {  	s10 =	sld [smem:$0x3FB7];
	_ =	sdelay $0x3  }
0x36: {  	p1 =	seq.s32 s10, $0x1;
	s10 =	sld [smem:$0x3FB8];
	_ =	sdelay $0x3  }
0x37: {  	[smem:$0x3FB8] =	sst s10  }
0x38: {  	s10 =	sld [smem:$0x3FB9]  }
0x39: {  	_ = 	snop;
	(pc) =	sbr.ind lr, $3  }
0x3a: {  	_ = 	snop  }
0x3b: {  	_ = 	snop  }
0x3c: {  	p2 =	seq.s32 s10, $0x1;
	s10 =	sld [smem:$0x3FB8]  }
0x3d: {  	_ =	shalt  }
0x3e: {  	_ =	shalt  }
0x3f: {  	_ =	shalt  }
0x40: {  	_ =	shalt  }
0x41: {  	_ =	shalt  }
0x42: {  	_ =	shalt  }
0x43: {  	_ =	shalt  }
0x44: {  	_ =	shalt  }
0x45: {  	_ =	shalt  }
0x46: {  	_ =	shalt  }
0x47: {  	_ =	shalt  }
0x48: {  	_ =	shalt  }
0x49: {  	_ =	shalt  }
0x4a: {  	_ =	shalt  }
0x4b: {  	_ =	shalt  }
0x4c: {  	_ =	shalt  }
0x4d: {  	_ =	shalt  }
0x4e: {  	_ =	shalt  }
0x4f: {  	_ =	shalt  }
0x50: {  	_ =	shalt  }
0x51: {  	_ =	shalt  }
0x52: {  	_ =	shalt  }
0x53: {  	_ =	shalt  }
0x54: {  	_ =	shalt  }
0x55: {  	_ =	shalt  }
0x56: {  	_ =	shalt  }
0x57: {  	_ =	shalt  }
0x58: {  	_ =	shalt  }
0x59: {  	_ =	shalt  }
0x5a: {  	_ =	shalt  }
0x5b: {  	_ =	shalt  }
0x5c: {  	_ =	shalt  }
0x5d: {  	_ =	shalt  }
0x5e: {  	_ =	shalt  }
0x5f: {  	_ =	shalt  }
0x60: {  	_ =	shalt  }
0x61: {  	_ =	shalt  }
0x62: {  	_ =	shalt  }
0x63: {  	_ =	shalt  }
0x64: {  	_ =	shalt  }
0x65: {  	_ =	shalt  }
0x66: {  	_ =	shalt  }
0x67: {  	_ =	shalt  }
0x68: {  	_ =	shalt  }
0x69: {  	_ =	shalt  }
0x6a: {  	_ =	shalt  }
0x6b: {  	_ =	shalt  }
0x6c: {  	_ =	shalt  }
0x6d: {  	_ =	shalt  }
0x6e: {  	_ =	shalt  }
0x6f: {  	_ =	shalt  }
0x70: {  	_ =	shalt  }
0x71: {  	_ =	shalt  }
0x72: {  	_ =	shalt  }
0x73: {  	_ =	shalt  }
0x74: {  	_ =	shalt  }
0x75: {  	_ =	shalt  }
0x76: {  	_ =	shalt  }
0x77: {  	_ =	shalt  }
0x78: {  	_ =	shalt  }
0x79: {  	_ =	shalt  }
0x7a: {  	_ =	shalt  }
0x7b: {  	_ =	shalt  }
0x7c: {  	_ =	shalt  }
0x7d: {  	_ =	shalt  }
0x7e: {  	_ =	shalt  }
0x7f: {  	_ =	shalt  }
0x80: {  	_ =	shalt  }
0x81: {  	_ =	shalt  }
0x82: {  	_ =	shalt  }
0x83: {  	_ =	shalt  }
0x84: {  	_ =	shalt  }
0x85: {  	_ =	shalt  }
0x86: {  	_ =	shalt  }
0x87: {  	_ =	shalt  }
.Lfunc_end0:
.L_simem_size_0:
called_computation.1_lowered:
.L_overlay_start_0:
0x88: {  	s2 =	sld [smem:$0x3FD9]  }
0x89: {  	s3 =	sld [smem:$0x3FFE];
	_ =	sdelay $0x1  }
0x8a: {  	s1 =	srdreg.scid  }
0x8b: {  	s0 =	sand.u32 $0x1, s1  }
0x8c: {  	s17 =	sshll.u32 s0, $0xA;
	s2 =	sadd.s32 s3, s2  }
0x8d: {  	s2 =	sadd.s32 s2, s17  }
0x8e: {  	[smem:$0x3FC4] =	sst s2  }
0x8f: {  	_ = 	snop  }
0x90: {  	s2 =	sld [smem:$0x3FD0];
	(tm) =	ssettm $0x1  }
0x91: {  	s18 =	sld [smem:$0x3FFB];
	_ =	sdelay $0x3  }
0x92: {  	_ =	strace s18  }
0x93: {  	s3 =	sld [smem:$0x3FFC];
	_ =	sdelay $0x3  }
0x94: {  	_ =	strace s3  }
0x95: {  	s3 =	sld [smem:$0x3FFD];
	_ =	sdelay $0x3  }
0x96: {  	_ =	strace s3  }
0x97: {  	_ =	strace $0x8FFFFFFF  }
0x98: {  	s19 =	sld [smem:$0x3FDB];
	_ =	sdelay $0x1  }
0x99: {  	s4 =	simm.s32 $_scs_section_size  }
0x9a: {  	s5 =	simm.s32 $_size__tile_overlayer_lowered;
	s6 =	simm.s32 $_tile_overlayer_lowered  }
0x9b: {  	s22 =	simm.s32 $0x1BFF;
	s21 =	sshll.u32 s6, $0x1;
	s3 =	sadd.s32 s4, s19  }
0x9c: {  	s7 =	simm.s32 $0x0;
	s20 =	sshll.u32 s5, $0x1;
	s5 =	sadd.s32 s21, s3  }
0x9d: {  	[timem:s7], [sflag:s22] =	dma.local [hbm:s5], s20  }
0x9e: {  	_ =	swait.ge [sflag:s22], s20  }
0x9f: {  	s4 =	ssub.s32 $0x0, s20;
	[sflag:s22] =	ssyncset.done $0x0  }
0xa0: {  	[sflag:s22] =	ssyncadd.s32 s4;
	_ =	sdelay $0x1  }
0xa1: {  	s23 =	simm.s32 $0x1B8B  }
0xa2: {  	_ =	swait.ge [sflag:s23], $0x1  }
0xa3: {  	[sflag:s23] =	ssyncset.done $0x0  }
0xa4: {  	s25 =	simm.s32 $0x1B8E;
	s24 =	sld [smem:$0x3FFE];
	[sflag:s23] =	ssyncadd.s32 $0xFFFFFFFF  }
0xa5: {  	s26 =	simm.s32 $execute0_lowered;
	[smem:$0x3FD2] =	sst s25  }
0xa6: {  	s5 =	sshll.u32 s26, $0x1;
	_ =	strace $0x80000049;
	[dreg:$0x1] =	wrdreg $0xFFFFFFFF  }
0xa7: {  	s28 =	simm.s32 $_size_execute0_lowered;
	s3 =	sadd.s32 s3, s5;
	[dreg:$0x0] =	wrdreg $0x0  }
0xa8: {  	s5 =	sshll.u32 s28, $0x1;
	[dreg:$0x2] =	wrdreg s3  }
0xa9: {  	[dreg:$0x3] =	wrdreg s5  }
0xaa: {  	[dreg:$0x4] =	wrdreg $0xC0  }
0xab: {  	_ =	task [dreg:s7], $0x5FFFF  }
0xac: {  	[dreg:$0x1] =	wrdreg $0xFFFFFFFF  }
0xad: {  	[dreg:$0x0] =	wrdreg $0x60  }
0xae: {  	[dreg:$0x2] =	wrdreg s2  }
0xaf: {  	[dreg:$0x3] =	wrdreg s24  }
0xb0: {  	[dreg:$0x4] =	wrdreg $0xA0000  }
0xb1: {  	[dreg:$0x5] =	wrdreg $0x9  }
0xb2: {  	_ =	task.clear_ibuf [dreg:s7], $0x6FFFF;
	_ =	strace $0x90000049  }
0xb3: {  	s29 =	simm.s32 $0x9;
	_ =	strace $0x8000004B  }
0xb4: {  	_ =	swait.ge [sflag:s29], $0x1  }
0xb5: {  	[sflag:s29] =	ssyncadd.s32 $0xFFFFFFFF  }
0xb6: {  	_ =	strace $0x9000004B  }
0xb7: {  	_ =	sfence  }
0xb8: {  	s30 =	sld [smem:$0x0];
	_ =	sdelay $0x2  }
0xb9: {  	s31 =	sshll.u32 s1, $0xD;
	s1 =	sshrl.u32 s1, $0x2  }
0xba: {  	s3 =	sand.u32 $0x4000, s31;
	s1 =	sadd.s32 s1, s30  }
0xbb: {  	s0 =	sor.u32 s3, s0;
	s1 =	sshll.u32 s1, $0x11  }
0xbc: {  	s0 =	sor.u32 s1, s0  }
0xbd: {  	s0 =	sadd.s32 $0x8F2B, s0  }
0xbe: {  	[sflag:s0] =	ssyncadd.remote.s32 $0x1  }
0xbf: {  	_ =	sfence.sel $0xFFFF  }
0xc0: {  	[dreg:$0x0] =	wrdreg $0xFFFFFFFF;
	(pc) =	sbr.abs _section_cstart, $3  }
0xc1: {  	[dreg:$0x1] =	wrdreg $0xFFFFFFFF  }
0xc2: {  	_ =	task.clear_ibuf [dreg:s7], $0x2FFFF;
	_ =	strace $0x9FFFFFFF  }
0xc3: {  	(tm) =	ssettm $0x7FFFFFFF  }
tec
execute0_lowered:
.L_overlay_start_1:
0x0: {  	(tag) =	ssettag $0x1  }
0x1: {  	s1 =	rddreg [dreg:$0x0]  }
0x2: {  	s0 =	srdreg.scid;
	s5 =	rddreg [dreg:$0x1]  }
0x3: {  	s11 =	stileid.u32;
	s3 =	rddreg [dreg:$0x2];
	s4 =	simm.s32 $0x0  }
0x4: {  	s14 =	simm.s32 $0x7;
	s15 =	simm.s32 $0x1400;
	s16 =	simm.s32 $0x50  }
0x5: {  	s17 =	simm.s32 $0x2800;
	s18 =	simm.s32 $0x5000;
	s19 =	simm.s32 $0x1  }
0x6: {  	s20 =	simm.s32 $0xA0;
	s21 =	simm.s32 $0x7800;
	s22 =	simm.s32 $0x2  }
0x7: {  	s23 =	simm.s32 $0x4;
	s24 =	simm.s32 $0x3;
	s25 =	simm.s32 $0x5  }
0x8: {  	s28 =	simm.s32 $0x2710;
	s29 =	simm.s32 $0x26C0;
	s7 =	smul.u32 $0x1F400, s11  }
0x9: {  	s30 =	simm.s32 $0x0;
	s0 =	sand.u32 $0x1, s0;
	s8 =	smul.u32 $0x3E80, s11  }
0xa: {  	[smem:$0x7FF] =	sst s4;
	s26 =	smul.u32 $0x7D000, s11;
	p0 =	sgt.u32 s11, $0x9  }
0xb: {  	s2 =	sshll.u32 s0, $0x4;
	s6 =	smul.u32 $0x138800, s0;
	_ =	strace $0x8000004A  }
0xc: {  	s0 =	ssub.s32 $0x2, s0;
	s2 =	sor.u32 s11, s2;
	s8 =	sadd.s32 s8, s5  }
0xd: {  	s9 =	sshrl.u32 s0, $0x1;
	s31 =	sshrl.u32 s26, $0x2;
	s2 =	smul.u32 $0x2710, s2  }
0xe: {  	s26 =	simm.s32 $0x6;
	s6 =	sadd.s32 s7, s6;
	s0 =	ssub.s32 s0, s9  }
0xf: {  	s13 =	sadd.s32 s31, s3;
	s6 =	sshrl.u32 s6, $0x3;
	s2 =	sshrl.u32 s2, $0x3  }
0x10: {  	s13 =	sshrl.u32 @!p0 s13, $0x3;
	s10 =	sadd.s32 s6, s5;
	s2 =	sadd.s32 s2, s5  }
0x11: {  	s5 =	sadd.s32 $0x15200, s8;
	s6 =	sadd.s32 $0x1800, s2;
	s7 =	sadd.s32 $0xB440, s2  }
0x12: {  	s8 =	sadd.s32 $0x1A76, s2;
	s9 =	sadd.s32 $0xB6B6, s2;
	s2 =	sshll.u32 @!p0 s11, $0x6  }
0x13: {  	s10 =	sadd.s32 $0x3C400, s10;
	s11 =	smax.u32 s0, $0x1;
	s12 =	sor.u32 @!p0 $0x1C07, s2  }
.LBB2_1:
0x14: {  	[spmem:s13], [sflag:s12] =	dma.local @!p0 [hbm:s5], $0x3E80  }
0x15: {  	s2 =	simm.s32 @!p0 $0x7  }
0x16: {  	_ =	swait.ge @!p0 [sflag:s2], $0x3E80  }
0x17: {  	[sflag:s2] =	ssyncset.done @!p0 $0x0  }
0x18: {  	[sflag:s2] =	ssyncadd.s32 @!p0 $0xFFFFC180  }
0x19: {  	[tilespmem:s4], [sflag:$0x7] =	stream.linear.gather [hbm4b:s6+s4], $0x13B0, $0x38;
	[tilespmem:$0x1D880] =	vst v63  }
0x1a: {  	_ =	swait.ge [sflag:s14], $0x13B0  }
0x1b: {  	[sflag:s14] =	ssyncset.done $0x0  }
0x1c: {  	[sflag:s14] =	ssyncadd.s32 $0xFFFFEC50  }
0x1d: {  	[tilespmem:s15], [sflag:$0x7] =	stream.linear.gather [hbm4b:s7+s4], $0x13B0, $0x38;
	[tilespmem:$0x1D880] =	vst v63  }
0x1e: {  	_ =	swait.ge [sflag:s14], $0x13B0  }
0x1f: {  	[sflag:s14] =	ssyncset.done $0x0  }
0x20: {  	[sflag:s14] =	ssyncadd.s32 $0xFFFFEC50  }
0x21: {  	[bflag:$0x0] =	sbarrier.arrive $0xFFFF  }
0x22: {  	[tilespmem:s17], [sflag:$0x1] =	stream.indirect.gather [hbm4b:s1+s16], $0x80, s4, s16, $0xb8;
	[tilespmem:$0x1D880] =	vst v63  }
0x23: {  	_ = 	snop  }
0x24: {  	[tilespmem:s18], [sflag:$0x2] =	stream.indirect.gather [hbm4b:s1+s16], $0x80, s16, s16, $0xb8;
	[tilespmem:$0x1D880] =	vst v63  }
0x25: {  	_ =	swait.ge [sflag:s19], $0x2800  }
0x26: {  	[sflag:s19] =	ssyncset.done $0x0  }
0x27: {  	[sflag:s19] =	ssyncadd.s32 $0xFFFFD800  }
0x28: {  	[spmem:s3] =	stream.indirect.scatter.add.f32 [tilespmem:s17], [sflag:$0x4], $0x80, s15, s16, $0xb8;
	[tilespmem:$0x1D880] =	vst v63  }
0x29: {  	_ = 	snop  }
0x2a: {  	[tilespmem:s21], [sflag:$0x3] =	stream.indirect.gather [hbm4b:s1+s16], $0x80, s20, s16, $0xb8;
	[tilespmem:$0x1D880] =	vst v63  }
0x2b: {  	_ =	swait.ge [sflag:s22], $0x2800  }
0x2c: {  	[sflag:s22] =	ssyncset.done $0x0  }
0x2d: {  	s0 =	simm.s32 $0x1450;
	[sflag:s22] =	ssyncadd.s32 $0xFFFFD800  }
0x2e: {  	[spmem:s3] =	stream.indirect.scatter.add.f32 [tilespmem:s18], [sflag:$0x5], $0x80, s0, s16, $0xb8;
	[tilespmem:$0x1D880] =	vst v63  }
0x2f: {  	_ =	swait.ge [sflag:s23], $0x2800  }
0x30: {  	[sflag:s23] =	ssyncset.done $0x0  }
0x31: {  	s0 =	simm.s32 $0xF0;
	[sflag:s23] =	ssyncadd.s32 $0xFFFFD800  }
0x32: {  	[tilespmem:s17], [sflag:$0x1] =	stream.indirect.gather [hbm4b:s1+s16], $0x80, s0, s16, $0xb8;
	[tilespmem:$0x1D880] =	vst v63  }
0x33: {  	_ =	swait.ge [sflag:s24], $0x2800  }
0x34: {  	[sflag:s24] =	ssyncset.done $0x0  }
0x35: {  	s0 =	simm.s32 $0x14A0;
	[sflag:s24] =	ssyncadd.s32 $0xFFFFD800  }
0x36: {  	[spmem:s3] =	stream.indirect.scatter.add.f32 [tilespmem:s21], [sflag:$0x6], $0x80, s0, s16, $0xb8;
	[tilespmem:$0x1D880] =	vst v63  }
0x37: {  	_ =	swait.ge [sflag:s25], $0x2800  }
0x38: {  	[sflag:s25] =	ssyncset.done $0x0  }
0x39: {  	s0 =	simm.s32 $0x140;
	[sflag:s25] =	ssyncadd.s32 $0xFFFFD800  }
0x3a: {  	[tilespmem:s18], [sflag:$0x2] =	stream.indirect.gather [hbm4b:s1+s16], $0x80, s0, s16, $0xb8;
	[tilespmem:$0x1D880] =	vst v63  }
0x3b: {  	_ =	swait.ge [sflag:s19], $0x2800  }
0x3c: {  	[sflag:s19] =	ssyncset.done $0x0  }
0x3d: {  	s0 =	simm.s32 $0x14F0;
	[sflag:s19] =	ssyncadd.s32 $0xFFFFD800  }
0x3e: {  	[spmem:s3] =	stream.indirect.scatter.add.f32 [tilespmem:s17], [sflag:$0x4], $0x80, s0, s16, $0xb8;
	[tilespmem:$0x1D880] =	vst v63  }
0x3f: {  	_ =	swait.ge [sflag:s26], $0x2800  }
0x40: {  	[sflag:s26] =	ssyncset.done $0x0  }
0x41: {  	s31 =	simm.s32 $0x3C0;
	s2 =	simm.s32 $0x190;
	[sflag:s26] =	ssyncadd.s32 $0xFFFFD800  }
.LBB2_2:
0x42: {  	[tilespmem:s21], [sflag:$0x3] =	stream.indirect.gather [hbm4b:s1+s16], $0x80, s2, s16, $0xb8;
	[tilespmem:$0x1D880] =	vst v63  }
0x43: {  	s2 =	smov.u32 s31  }
0x44: {  	p1 =	sne.s32 s31, $0x4740;
	s31 =	sadd.s32 $0x3C0, s31;
	_ =	swait.ge [sflag:s22], $0x2800  }
0x45: {  	s2 =	sshra.s32 s2, $0x2;
	[sflag:s22] =	ssyncset.done $0x0  }
0x46: {  	s0 =	sadd.s32 $0x1450, s2;
	[sflag:s22] =	ssyncadd.s32 $0xFFFFD800  }
0x47: {  	[spmem:s3] =	stream.indirect.scatter.add.f32 [tilespmem:s18], [sflag:$0x5], $0x80, s0, s16, $0xb8;
	[tilespmem:$0x1D880] =	vst v63  }
0x48: {  	_ =	swait.ge [sflag:s23], $0x2800  }
0x49: {  	[sflag:s23] =	ssyncset.done $0x0  }
0x4a: {  	s0 =	sadd.s32 $0xF0, s2;
	[sflag:s23] =	ssyncadd.s32 $0xFFFFD800  }
0x4b: {  	[tilespmem:s17], [sflag:$0x1] =	stream.indirect.gather [hbm4b:s1+s16], $0x80, s0, s16, $0xb8;
	[tilespmem:$0x1D880] =	vst v63  }
0x4c: {  	_ =	swait.ge [sflag:s24], $0x2800  }
0x4d: {  	[sflag:s24] =	ssyncset.done $0x0  }
0x4e: {  	s0 =	sadd.s32 $0x14A0, s2;
	[sflag:s24] =	ssyncadd.s32 $0xFFFFD800  }
0x4f: {  	[spmem:s3] =	stream.indirect.scatter.add.f32 [tilespmem:s21], [sflag:$0x6], $0x80, s0, s16, $0xb8;
	[tilespmem:$0x1D880] =	vst v63  }
0x50: {  	_ =	swait.ge [sflag:s25], $0x2800  }
0x51: {  	[sflag:s25] =	ssyncset.done $0x0  }
0x52: {  	s0 =	sadd.s32 $0x140, s2;
	[sflag:s25] =	ssyncadd.s32 $0xFFFFD800  }
0x53: {  	[tilespmem:s18], [sflag:$0x2] =	stream.indirect.gather [hbm4b:s1+s16], $0x80, s0, s16, $0xb8;
	[tilespmem:$0x1D880] =	vst v63  }
0x54: {  	_ =	swait.ge [sflag:s19], $0x2800  }
0x55: {  	[sflag:s19] =	ssyncset.done $0x0  }
.Ltmp0:
0x56: {  	s0 =	sadd.s32 $0x14F0, s2;
	[sflag:s19] =	ssyncadd.s32 $0xFFFFD800;
	(pc) =	sbr.rel @p1 .LBB2_2-.Ltmp0, $4  }
0x57: {  	[spmem:s3] =	stream.indirect.scatter.add.f32 [tilespmem:s17], [sflag:$0x4], $0x80, s0, s16, $0xb8;
	[tilespmem:$0x1D880] =	vst v63  }
0x58: {  	_ =	swait.ge [sflag:s26], $0x2800  }
0x59: {  	[sflag:s26] =	ssyncset.done $0x0  }
0x5a: {  	s2 =	sadd.s32 $0x190, s2;
	[sflag:s26] =	ssyncadd.s32 $0xFFFFD800  }
0x5b: {  	[tilespmem:s21], [sflag:$0x3] =	stream.indirect.gather [hbm4b:s1+s16], $0x80, s2, s16, $0xb8;
	[tilespmem:$0x1D880] =	vst v63  }
0x5c: {  	_ =	swait.ge [sflag:s22], $0x2800  }
0x5d: {  	[sflag:s22] =	ssyncset.done $0x0  }
0x5e: {  	[sflag:s22] =	ssyncadd.s32 $0xFFFFD800  }
0x5f: {  	[spmem:s3] =	stream.indirect.scatter.add.f32 [tilespmem:s18], [sflag:$0x5], $0x80, s28, s16, $0xb8;
	[tilespmem:$0x1D880] =	vst v63  }
0x60: {  	_ =	swait.ge [sflag:s23], $0x2800  }
0x61: {  	[sflag:s23] =	ssyncset.done $0x0  }
0x62: {  	[sflag:s23] =	ssyncadd.s32 $0xFFFFD800  }
0x63: {  	_ =	swait.ge [sflag:s24], $0x2800  }
0x64: {  	[sflag:s24] =	ssyncset.done $0x0  }
0x65: {  	s0 =	simm.s32 $0x2760;
	[sflag:s24] =	ssyncadd.s32 $0xFFFFD800  }
0x66: {  	[spmem:s3] =	stream.indirect.scatter.add.f32 [tilespmem:s21], [sflag:$0x6], $0x80, s0, s16, $0xb8;
	[tilespmem:$0x1D880] =	vst v63  }
0x67: {  	_ =	swait.ge [sflag:s25], $0x2800  }
0x68: {  	[sflag:s25] =	ssyncset.done $0x0  }
0x69: {  	[sflag:s25] =	ssyncadd.s32 $0xFFFFD800  }
0x6a: {  	_ =	swait.ge [sflag:s26], $0x2800  }
0x6b: {  	[sflag:s26] =	ssyncset.done $0x0  }
0x6c: {  	s2 =	simm.s32 $0x0;
	[sflag:s26] =	ssyncadd.s32 $0xFFFFD800  }
0x6d: {  	[tilespmem:s2], [sflag:$0x7] =	stream.linear.gather [hbm4b:s8+s2], $0x1360, $0x38;
	[tilespmem:$0x1D880] =	vst v63  }
0x6e: {  	_ =	swait.ge [sflag:s14], $0x1360  }
0x6f: {  	[sflag:s14] =	ssyncset.done $0x0  }
0x70: {  	[sflag:s14] =	ssyncadd.s32 $0xFFFFECA0  }
0x71: {  	[tilespmem:s15], [sflag:$0x7] =	stream.linear.gather [hbm4b:s9+s2], $0x1360, $0x38;
	[tilespmem:$0x1D880] =	vst v63  }
0x72: {  	_ =	swait.ge [sflag:s14], $0x1360  }
0x73: {  	[sflag:s14] =	ssyncset.done $0x0  }
0x74: {  	[sflag:s14] =	ssyncadd.s32 $0xFFFFECA0  }
0x75: {  	[tilespmem:s17], [sflag:$0x1] =	stream.indirect.gather [hbm4b:s1+s16], $0x80, s2, s16, $0xb8;
	[tilespmem:$0x1D880] =	vst v63  }
0x76: {  	_ = 	snop  }
0x77: {  	[tilespmem:s18], [sflag:$0x2] =	stream.indirect.gather [hbm4b:s1+s16], $0x80, s16, s16, $0xb8;
	[tilespmem:$0x1D880] =	vst v63  }
0x78: {  	_ =	swait.ge [sflag:s19], $0x2800  }
0x79: {  	[sflag:s19] =	ssyncset.done $0x0  }
0x7a: {  	[sflag:s19] =	ssyncadd.s32 $0xFFFFD800  }
0x7b: {  	[spmem:s3] =	stream.indirect.scatter.add.f32 [tilespmem:s17], [sflag:$0x4], $0x80, s15, s16, $0xb8;
	[tilespmem:$0x1D880] =	vst v63  }
0x7c: {  	_ = 	snop  }
0x7d: {  	[tilespmem:s21], [sflag:$0x3] =	stream.indirect.gather [hbm4b:s1+s16], $0x80, s20, s16, $0xb8;
	[tilespmem:$0x1D880] =	vst v63  }
0x7e: {  	_ =	swait.ge [sflag:s22], $0x2800  }
0x7f: {  	[sflag:s22] =	ssyncset.done $0x0  }
0x80: {  	s2 =	simm.s32 $0x1450;
	[sflag:s22] =	ssyncadd.s32 $0xFFFFD800  }
0x81: {  	[spmem:s3] =	stream.indirect.scatter.add.f32 [tilespmem:s18], [sflag:$0x5], $0x80, s2, s16, $0xb8;
	[tilespmem:$0x1D880] =	vst v63  }
0x82: {  	_ =	swait.ge [sflag:s23], $0x2800  }
0x83: {  	[sflag:s23] =	ssyncset.done $0x0  }
0x84: {  	s2 =	simm.s32 $0xF0;
	[sflag:s23] =	ssyncadd.s32 $0xFFFFD800  }
0x85: {  	[tilespmem:s17], [sflag:$0x1] =	stream.indirect.gather [hbm4b:s1+s16], $0x80, s2, s16, $0xb8;
	[tilespmem:$0x1D880] =	vst v63  }
0x86: {  	_ =	swait.ge [sflag:s24], $0x2800  }
0x87: {  	[sflag:s24] =	ssyncset.done $0x0  }
0x88: {  	s2 =	simm.s32 $0x14A0;
	[sflag:s24] =	ssyncadd.s32 $0xFFFFD800  }
0x89: {  	[spmem:s3] =	stream.indirect.scatter.add.f32 [tilespmem:s21], [sflag:$0x6], $0x80, s2, s16, $0xb8;
	[tilespmem:$0x1D880] =	vst v63  }
0x8a: {  	_ =	swait.ge [sflag:s25], $0x2800  }
0x8b: {  	[sflag:s25] =	ssyncset.done $0x0  }
0x8c: {  	s2 =	simm.s32 $0x140;
	[sflag:s25] =	ssyncadd.s32 $0xFFFFD800  }
0x8d: {  	[tilespmem:s18], [sflag:$0x2] =	stream.indirect.gather [hbm4b:s1+s16], $0x80, s2, s16, $0xb8;
	[tilespmem:$0x1D880] =	vst v63  }
0x8e: {  	_ =	swait.ge [sflag:s19], $0x2800  }
0x8f: {  	[sflag:s19] =	ssyncset.done $0x0  }
0x90: {  	s2 =	simm.s32 $0x14F0;
	[sflag:s19] =	ssyncadd.s32 $0xFFFFD800  }
0x91: {  	[spmem:s3] =	stream.indirect.scatter.add.f32 [tilespmem:s17], [sflag:$0x4], $0x80, s2, s16, $0xb8;
	[tilespmem:$0x1D880] =	vst v63  }
0x92: {  	_ =	swait.ge [sflag:s26], $0x2800  }
0x93: {  	[sflag:s26] =	ssyncset.done $0x0  }
0x94: {  	s31 =	simm.s32 $0x3C0;
	s2 =	simm.s32 $0x190;
	[sflag:s26] =	ssyncadd.s32 $0xFFFFD800  }
.LBB2_4:
0x95: {  	[tilespmem:s21], [sflag:$0x3] =	stream.indirect.gather [hbm4b:s1+s16], $0x80, s2, s16, $0xb8;
	[tilespmem:$0x1D880] =	vst v63  }
0x96: {  	s0 =	smov.u32 s31  }
0x97: {  	p1 =	sne.s32 s31, $0x4380;
	s31 =	sadd.s32 $0x3C0, s31;
	_ =	swait.ge [sflag:s22], $0x2800  }
0x98: {  	s0 =	sshra.s32 s0, $0x2;
	[sflag:s22] =	ssyncset.done $0x0  }
0x99: {  	s2 =	sadd.s32 $0x1450, s0;
	[sflag:s22] =	ssyncadd.s32 $0xFFFFD800  }
0x9a: {  	[spmem:s3] =	stream.indirect.scatter.add.f32 [tilespmem:s18], [sflag:$0x5], $0x80, s2, s16, $0xb8;
	[tilespmem:$0x1D880] =	vst v63  }
0x9b: {  	_ =	swait.ge [sflag:s23], $0x2800  }
0x9c: {  	[sflag:s23] =	ssyncset.done $0x0  }
0x9d: {  	s2 =	sadd.s32 $0xF0, s0;
	[sflag:s23] =	ssyncadd.s32 $0xFFFFD800  }
0x9e: {  	[tilespmem:s17], [sflag:$0x1] =	stream.indirect.gather [hbm4b:s1+s16], $0x80, s2, s16, $0xb8;
	[tilespmem:$0x1D880] =	vst v63  }
0x9f: {  	_ =	swait.ge [sflag:s24], $0x2800  }
0xa0: {  	[sflag:s24] =	ssyncset.done $0x0  }
0xa1: {  	s2 =	sadd.s32 $0x14A0, s0;
	[sflag:s24] =	ssyncadd.s32 $0xFFFFD800  }
0xa2: {  	[spmem:s3] =	stream.indirect.scatter.add.f32 [tilespmem:s21], [sflag:$0x6], $0x80, s2, s16, $0xb8;
	[tilespmem:$0x1D880] =	vst v63  }
0xa3: {  	_ =	swait.ge [sflag:s25], $0x2800  }
0xa4: {  	[sflag:s25] =	ssyncset.done $0x0  }
0xa5: {  	s2 =	sadd.s32 $0x140, s0;
	[sflag:s25] =	ssyncadd.s32 $0xFFFFD800  }
0xa6: {  	[tilespmem:s18], [sflag:$0x2] =	stream.indirect.gather [hbm4b:s1+s16], $0x80, s2, s16, $0xb8;
	[tilespmem:$0x1D880] =	vst v63  }
0xa7: {  	_ =	swait.ge [sflag:s19], $0x2800  }
0xa8: {  	[sflag:s19] =	ssyncset.done $0x0  }
.Ltmp1:
0xa9: {  	s2 =	sadd.s32 $0x14F0, s0;
	[sflag:s19] =	ssyncadd.s32 $0xFFFFD800;
	(pc) =	sbr.rel @p1 .LBB2_4-.Ltmp1, $4  }
0xaa: {  	[spmem:s3] =	stream.indirect.scatter.add.f32 [tilespmem:s17], [sflag:$0x4], $0x80, s2, s16, $0xb8;
	[tilespmem:$0x1D880] =	vst v63  }
0xab: {  	_ =	swait.ge [sflag:s26], $0x2800  }
0xac: {  	[sflag:s26] =	ssyncset.done $0x0  }
0xad: {  	s2 =	sadd.s32 $0x190, s0;
	[sflag:s26] =	ssyncadd.s32 $0xFFFFD800  }
0xae: {  	[tilespmem:s21], [sflag:$0x3] =	stream.indirect.gather [hbm4b:s1+s16], $0x80, s2, s16, $0xb8;
	[tilespmem:$0x1D880] =	vst v63  }
0xaf: {  	_ =	swait.ge [sflag:s22], $0x2800  }
0xb0: {  	[sflag:s22] =	ssyncset.done $0x0  }
0xb1: {  	s0 =	simm.s32 $0x2620;
	[sflag:s22] =	ssyncadd.s32 $0xFFFFD800  }
0xb2: {  	[spmem:s3] =	stream.indirect.scatter.add.f32 [tilespmem:s18], [sflag:$0x5], $0x80, s0, s16, $0xb8;
	[tilespmem:$0x1D880] =	vst v63  }
0xb3: {  	_ =	swait.ge [sflag:s23], $0x2800  }
0xb4: {  	[sflag:s23] =	ssyncset.done $0x0  }
0xb5: {  	s31 =	simm.s32 $0x12C0;
	[sflag:s23] =	ssyncadd.s32 $0xFFFFD800  }
0xb6: {  	[tilespmem:s17], [sflag:$0x1] =	stream.indirect.gather [hbm4b:s1+s16], $0x80, s31, s16, $0xb8;
	[tilespmem:$0x1D880] =	vst v63  }
0xb7: {  	_ =	swait.ge [sflag:s24], $0x2800  }
0xb8: {  	[sflag:s24] =	ssyncset.done $0x0  }
0xb9: {  	s2 =	simm.s32 $0x2670;
	[sflag:s24] =	ssyncadd.s32 $0xFFFFD800  }
0xba: {  	[spmem:s3] =	stream.indirect.scatter.add.f32 [tilespmem:s21], [sflag:$0x6], $0x80, s2, s16, $0xb8;
	[tilespmem:$0x1D880] =	vst v63  }
0xbb: {  	_ =	swait.ge [sflag:s25], $0x2800  }
0xbc: {  	[sflag:s25] =	ssyncset.done $0x0  }
0xbd: {  	s31 =	simm.s32 $0x1310;
	[sflag:s25] =	ssyncadd.s32 $0xFFFFD800  }
0xbe: {  	[tilespmem:s18], [sflag:$0x2] =	stream.indirect.gather [hbm4b:s1+s16], $0x80, s31, s16, $0xb8;
	[tilespmem:$0x1D880] =	vst v63  }
0xbf: {  	_ =	swait.ge [sflag:s19], $0x2800  }
0xc0: {  	[sflag:s19] =	ssyncset.done $0x0  }
0xc1: {  	[sflag:s19] =	ssyncadd.s32 $0xFFFFD800  }
0xc2: {  	[spmem:s3] =	stream.indirect.scatter.add.f32 [tilespmem:s17], [sflag:$0x4], $0x80, s29, s16, $0xb8;
	[tilespmem:$0x1D880] =	vst v63  }
0xc3: {  	_ =	swait.ge [sflag:s26], $0x2800  }
0xc4: {  	[sflag:s26] =	ssyncset.done $0x0  }
0xc5: {  	[sflag:s26] =	ssyncadd.s32 $0xFFFFD800  }
0xc6: {  	_ =	swait.ge [sflag:s22], $0x2800  }
0xc7: {  	[sflag:s22] =	ssyncset.done $0x0  }
0xc8: {  	[sflag:s22] =	ssyncadd.s32 $0xFFFFD800  }
0xc9: {  	[spmem:s3] =	stream.indirect.scatter.add.f32 [tilespmem:s18], [sflag:$0x5], $0x80, s28, s16, $0xb8;
	[tilespmem:$0x1D880] =	vst v63  }
0xca: {  	_ =	swait.ge [sflag:s23], $0x2800  }
0xcb: {  	[sflag:s23] =	ssyncset.done $0x0  }
0xcc: {  	[sflag:s23] =	ssyncadd.s32 $0xFFFFD800  }
0xcd: {  	_ =	swait.ge [sflag:s25], $0x2800  }
0xce: {  	s30 =	sadd.s32 $0x1, s30;
	[sflag:s25] =	ssyncset.done $0x0  }
0xcf: {  	p1 =	sne.s32 s30, s11;
	[sflag:s25] =	ssyncadd.s32 $0xFFFFD800  }
.Ltmp2:
0xd0: {  	s0 =	simm.s32 @!p0 $0x7;
	[bflag:$0x0] =	sbarrier.arrive $0xFFFF;
	(pc) =	sbr.rel @p1 .LBB2_1-.Ltmp2, $4  }
0xd1: {  	[hbm:s10], [sflag:s12] =	dma.local @!p0 [spmem:s13], $0x3E80  }
0xd2: {  	_ =	swait.ge @!p0 [sflag:s0], $0x3E80  }
0xd3: {  	[sflag:s0] =	ssyncset.done @!p0 $0x0  }
0xd4: {  	[sflag:s0] =	ssyncadd.s32 @!p0 $0xFFFFC180  }
0xd5: {  	_ =	sfence.sel $0x180000  }
0xd6: {  	[bflag:$0x0] =	sbarrier.arrive $0xFFFF  }
0xd7: {  	_ =	strace $0x9000004A  }
0xd8: {  	s0 =	stileid.u32;
	[bflag:$0x2] =	sbarrier.arrive $0xFFFF  }
0xd9: {  	p0 =	sne.s32 s0, $0x0;
	s0 =	rddreg [dreg:$0x3]  }
0xda: {  	s0 =	sadd.s32 @!p0 $0x100000, s0  }
0xdb: {  	[sflag:s0] =	ssyncadd.tile.s32 @!p0 $0x1;
	_ =	shalt  }
.Lfunc_end2:
_tile_overlayer_lowered:
.L_overlay_start_2:
0xdc: {  	(tag) =	ssettag $0x2  }
0xdd: {  	s0 =	rddreg [dreg:$0x0];
	s2 =	stileid.u32  }
0xde: {  	s1 =	rddreg [dreg:$0x1];
	p0 =	sne.s32 s2, $0x0  }
0xdf: {  	s3 =	rddreg [dreg:$0x2];
	[bflag:$0x3] =	sbarrier.arrive $0xFFFF;
	s2 =	simm.s32 @!p0 $0x1C07  }
0xe0: {  	[timem:s3], [sflag:s2] =	dma.local @!p0 [hbm:s0], s1  }
0xe1: {  	s0 =	simm.s32 @!p0 $0x7  }
0xe2: {  	_ =	swait.ge @!p0 [sflag:s0], s1  }
0xe3: {  	s1 =	ssub.s32 @!p0 $0x0, s1;
	[sflag:s0] =	ssyncset.done @!p0 $0x0  }
0xe4: {  	[sflag:s0] =	ssyncadd.s32 @!p0 s1  }
0xe5: {  	[bflag:$0x3] =	sbarrier.arrive $0xFFFF  }
0xe6: {  	_ =	shalt  }

</sc_bundles>
